<compile_context>
chip_gen: v7x
topology: tpu7x:2x2x1
jax: 0.10.2.dev20260603
libtpu: 0.0.44.dev20260713+nightly
codegen_flags: <defaults>
</compile_context>

<pallas_src>
import functools

import jax
import jax.numpy as jnp
from jax import lax
from jax.experimental import pallas as pl
from jax.experimental.pallas import tpu as pltpu
from jax.experimental.pallas import tpu_sc as plsc

B = 16384
NC = 2
NS = 16
NW = NC * NS
LANES = 16
PER_W = B // NW


def _sc_body(uidx_hbm, iidx_hbm, r_hbm, bu_hbm, bi_hbm, out_hbm,
             idxu_v, idxi_v, r_v, gu_v, gi_v, outv, sem, gsem):
    cid = lax.axis_index("c")
    sid = lax.axis_index("s")
    wid = sid * NC + cid
    sl_in = pl.ds(wid * PER_W, PER_W)

    cu = pltpu.async_copy(uidx_hbm.at[sl_in], idxu_v, sem)
    ci = pltpu.async_copy(iidx_hbm.at[sl_in], idxi_v, sem)
    cr = pltpu.async_copy(r_hbm.at[sl_in], r_v, sem)
    cu.wait()
    ci.wait()

    HALF = PER_W // 2
    h0, h1 = pl.ds(0, HALF), pl.ds(HALF, HALF)
    gu0 = pltpu.async_copy(bu_hbm.at[idxu_v.at[h0]], gu_v.at[h0], gsem)
    gi0 = pltpu.async_copy(bi_hbm.at[idxi_v.at[h0]], gi_v.at[h0], gsem)
    gu1 = pltpu.async_copy(bu_hbm.at[idxu_v.at[h1]], gu_v.at[h1], gsem)
    gi1 = pltpu.async_copy(bi_hbm.at[idxi_v.at[h1]], gi_v.at[h1], gsem)
    cr.wait()
    gu0.wait()
    gi0.wait()

    acc2 = jnp.zeros((LANES,), jnp.float32)
    acc1 = jnp.zeros((LANES,), jnp.float32)
    for k in range(HALF // LANES):
        sl = pl.ds(k * LANES, LANES)
        d = gu_v[sl] + gi_v[sl] - r_v[sl]
        acc2 = acc2 + d * d
        acc1 = acc1 + d

    gu1.wait()
    gi1.wait()
    for k in range(HALF // LANES, PER_W // LANES):
        sl = pl.ds(k * LANES, LANES)
        d = gu_v[sl] + gi_v[sl] - r_v[sl]
        acc2 = acc2 + d * d
        acc1 = acc1 + d

    outv[0, :] = acc2
    outv[1, :] = acc1
    pltpu.sync_copy(outv, out_hbm.at[wid])


@jax.jit
def _lfm_loss(sampleU, sampleI, sampleR, betaU, betaI, alpha):
    k = functools.partial(
        pl.kernel,
        out_type=jax.ShapeDtypeStruct((NW, 2, LANES), jnp.float32),
        mesh=plsc.VectorSubcoreMesh(core_axis_name="c",
                                    subcore_axis_name="s",
                                    num_cores=NC),
        scratch_types=[
            pltpu.VMEM((PER_W,), jnp.int32),
            pltpu.VMEM((PER_W,), jnp.int32),
            pltpu.VMEM((PER_W,), jnp.float32),
            pltpu.VMEM((PER_W,), jnp.float32),
            pltpu.VMEM((PER_W,), jnp.float32),
            pltpu.VMEM((2, LANES), jnp.float32),
            pltpu.SemaphoreType.DMA,
            pltpu.SemaphoreType.DMA,
        ],
    )(_sc_body)
    partials = k(sampleU, sampleI, sampleR, betaU, betaI)

    s2 = jnp.sum(partials[:, 0, :])
    s1 = jnp.sum(partials[:, 1, :])
    n = jnp.float32(B)
    return 0.5 * (s2 + 2.0 * alpha * s1 + n * alpha * alpha) / n


def kernel(sampleU, sampleI, sampleR, betaU, betaI, alpha):
    return _lfm_loss(sampleU, sampleI, sampleR, betaU, betaI, alpha)

# --- scband reference (transcript-rebuilt; emitter-appended) ---
"""Pipeline reference for scband-latent-factor-model-bias-only-39109972197890 (READ-ONLY COPY).

The authoritative reference and input builder live on the scoring server;
editing this copy changes nothing except your own understanding.
"""

import jax, jax.numpy as jnp
import numpy as np

N_USERS = 100000
N_ITEMS = 1000000
B = 16384

def setup_inputs(seed: int = 0) -> dict:
    key = jax.random.key(seed)
    k1, k2, k3, k4, k5 = jax.random.split(key, 5)
    sampleU = jax.random.randint(k1, (B,), 0, N_USERS, dtype=jnp.int32)
    sampleI = jax.random.randint(k2, (B,), 0, N_ITEMS, dtype=jnp.int32)
    sampleR = jax.random.normal(k3, (B,), dtype=jnp.float32)
    betaU = jax.random.normal(k4, (N_USERS,), dtype=jnp.float32) * 0.001
    betaI = jax.random.normal(k5, (N_ITEMS,), dtype=jnp.float32) * 0.001
    alpha = jnp.asarray(3.5, dtype=jnp.float32)
    return {"sampleU": sampleU, "sampleI": sampleI, "sampleR": sampleR,
            "betaU": betaU, "betaI": betaI, "alpha": alpha}

def reference(sampleU, sampleI, sampleR, betaU, betaI, alpha):
    # predictSample: alpha + embedding_lookup(betaU, u) + embedding_lookup(betaI, i)
    beta_u = jnp.take(betaU, sampleU, axis=0)
    beta_i = jnp.take(betaI, sampleI, axis=0)
    pred = alpha + beta_u + beta_i
    # tf.nn.l2_loss(t) = sum(t**2) / 2, divided by len(sampleR)
    diff = pred - sampleR
    loss = 0.5 * jnp.sum(diff * diff) / sampleR.shape[0]
    return loss

if __name__ == "__main__":
    import jax
    _d = setup_inputs()
    print(jax.jit(kernel)(*tuple(_d.values())))

</pallas_src>

<mosaic_0001>
#map = affine_map<(d0, d1) -> (0)>
#map1 = affine_map<(d0, d1) -> (0, 0, 0)>
module attributes {stable_mosaic.version = 14 : i64} {
  func.func @_sc_body(%arg0: i32, %arg1: i32, %arg2: memref<16384xi32, #tpu.memory_space<hbm>>, %arg3: memref<16384xi32, #tpu.memory_space<hbm>>, %arg4: memref<16384xf32, #tpu.memory_space<hbm>>, %arg5: memref<100000xf32, #tpu.memory_space<hbm>>, %arg6: memref<1000000xf32, #tpu.memory_space<hbm>>, %arg7: memref<32x2x16xf32, #tpu.memory_space<hbm>>, %arg8: memref<512xi32, #tpu.memory_space<vmem>>, %arg9: memref<512xi32, #tpu.memory_space<vmem>>, %arg10: memref<512xf32, #tpu.memory_space<vmem>>, %arg11: memref<512xf32, #tpu.memory_space<vmem>>, %arg12: memref<512xf32, #tpu.memory_space<vmem>>, %arg13: memref<2x16xf32, #tpu.memory_space<vmem>>, %arg14: memref<!tpu.dma_semaphore, #tpu.memory_space<semaphore_mem>>, %arg15: memref<!tpu.dma_semaphore, #tpu.memory_space<semaphore_mem>>) attributes {dimension_semantics = [#tpu.dimension_semantics<core_parallel>, #tpu.dimension_semantics<subcore_parallel>], iteration_bounds = array<i64: 2, 16>, scalar_prefetch = 0 : i64, scratch_operands = 8 : i64, tpu.core_type = #tpu.core_type<sc_vector_subcore>, window_params = [{transform_indices = #map}, {transform_indices = #map}, {transform_indices = #map}, {transform_indices = #map}, {transform_indices = #map}, {transform_indices = #map1}]} {
    %mul3A = arith.constant 2 : i32
    %mul3A_0 = arith.muli %arg1, %mul3A : i32
    %add3A = arith.addi %mul3A_0, %arg0 : i32
    %mul3A_1 = arith.constant 512 : i32
    %mul3A_2 = arith.muli %add3A, %mul3A_1 : i32
    %dma_start3A = tpu.memref_slice %arg2[%mul3A_2] : memref<16384xi32, #tpu.memory_space<hbm>> -> memref<512xi32, #tpu.memory_space<hbm>>
    %dma_start3A_3 = tpu.memref_slice %arg2[%mul3A_2] : memref<16384xi32, #tpu.memory_space<hbm>> -> memref<512xi32, #tpu.memory_space<hbm>>
    tpu.enqueue_dma source(%dma_start3A_3 : memref<512xi32, #tpu.memory_space<hbm>>) target(%arg8 : memref<512xi32, #tpu.memory_space<vmem>>) target_semaphore(%arg14 : memref<!tpu.dma_semaphore, #tpu.memory_space<semaphore_mem>>)
    %dma_start3A_4 = tpu.memref_slice %arg3[%mul3A_2] : memref<16384xi32, #tpu.memory_space<hbm>> -> memref<512xi32, #tpu.memory_space<hbm>>
    %dma_start3A_5 = tpu.memref_slice %arg3[%mul3A_2] : memref<16384xi32, #tpu.memory_space<hbm>> -> memref<512xi32, #tpu.memory_space<hbm>>
    tpu.enqueue_dma source(%dma_start3A_5 : memref<512xi32, #tpu.memory_space<hbm>>) target(%arg9 : memref<512xi32, #tpu.memory_space<vmem>>) target_semaphore(%arg14 : memref<!tpu.dma_semaphore, #tpu.memory_space<semaphore_mem>>)
    %dma_start3A_6 = tpu.memref_slice %arg4[%mul3A_2] : memref<16384xf32, #tpu.memory_space<hbm>> -> memref<512xf32, #tpu.memory_space<hbm>>
    %dma_start3A_7 = tpu.memref_slice %arg4[%mul3A_2] : memref<16384xf32, #tpu.memory_space<hbm>> -> memref<512xf32, #tpu.memory_space<hbm>>
    tpu.enqueue_dma source(%dma_start3A_7 : memref<512xf32, #tpu.memory_space<hbm>>) target(%arg10 : memref<512xf32, #tpu.memory_space<vmem>>) target_semaphore(%arg14 : memref<!tpu.dma_semaphore, #tpu.memory_space<semaphore_mem>>)
    %dma_wait3A = tpu.memref_slice %arg2[%mul3A_2] : memref<16384xi32, #tpu.memory_space<hbm>> -> memref<512xi32, #tpu.memory_space<hbm>>
    %dma_wait3A_8 = tpu.memref_slice %arg2[%mul3A_2] : memref<16384xi32, #tpu.memory_space<hbm>> -> memref<512xi32, #tpu.memory_space<hbm>>
    tpu.wait_dma2 semaphore(%arg14 : memref<!tpu.dma_semaphore, #tpu.memory_space<semaphore_mem>>) src(%dma_wait3A_8 : memref<512xi32, #tpu.memory_space<hbm>>) dst(%arg8 : memref<512xi32, #tpu.memory_space<vmem>>)
    %dma_wait3A_9 = tpu.memref_slice %arg3[%mul3A_2] : memref<16384xi32, #tpu.memory_space<hbm>> -> memref<512xi32, #tpu.memory_space<hbm>>
    %dma_wait3A_10 = tpu.memref_slice %arg3[%mul3A_2] : memref<16384xi32, #tpu.memory_space<hbm>> -> memref<512xi32, #tpu.memory_space<hbm>>
    tpu.wait_dma2 semaphore(%arg14 : memref<!tpu.dma_semaphore, #tpu.memory_space<semaphore_mem>>) src(%dma_wait3A_10 : memref<512xi32, #tpu.memory_space<hbm>>) dst(%arg9 : memref<512xi32, #tpu.memory_space<vmem>>)
    %dma_start3A_11 = arith.constant 0 : i32
    %dma_start3A_12 = tpu.memref_slice %arg11[%dma_start3A_11] : memref<512xf32, #tpu.memory_space<vmem>> -> memref<256xf32, #tpu.memory_space<vmem>>
    %dma_start3A_13 = arith.constant 0 : i32
    %dma_start3A_14 = tpu.memref_slice %arg8[%dma_start3A_13] : memref<512xi32, #tpu.memory_space<vmem>> -> memref<256xi32, #tpu.memory_space<vmem>>
    %dma_start3A_15 = arith.constant 0 : i32
    %dma_start3A_16 = tpu.memref_slice %arg5[%dma_start3A_15] : memref<100000xf32, #tpu.memory_space<hbm>> -> memref<100000xf32, #tpu.memory_space<hbm>>
    tpu.enqueue_indirect_dma source(%dma_start3A_16 : memref<100000xf32, #tpu.memory_space<hbm>>) target(%dma_start3A_12 : memref<256xf32, #tpu.memory_space<vmem>>) offsets(%dma_start3A_14 : memref<256xi32, #tpu.memory_space<vmem>>) semaphore(%arg15 : memref<!tpu.dma_semaphore, #tpu.memory_space<semaphore_mem>>)
    %dma_start3A_17 = arith.constant 0 : i32
    %dma_start3A_18 = tpu.memref_slice %arg12[%dma_start3A_17] : memref<512xf32, #tpu.memory_space<vmem>> -> memref<256xf32, #tpu.memory_space<vmem>>
    %dma_start3A_19 = arith.constant 0 : i32
    %dma_start3A_20 = tpu.memref_slice %arg9[%dma_start3A_19] : memref<512xi32, #tpu.memory_space<vmem>> -> memref<256xi32, #tpu.memory_space<vmem>>
    %dma_start3A_21 = arith.constant 0 : i32
    %dma_start3A_22 = tpu.memref_slice %arg6[%dma_start3A_21] : memref<1000000xf32, #tpu.memory_space<hbm>> -> memref<1000000xf32, #tpu.memory_space<hbm>>
    tpu.enqueue_indirect_dma source(%dma_start3A_22 : memref<1000000xf32, #tpu.memory_space<hbm>>) target(%dma_start3A_18 : memref<256xf32, #tpu.memory_space<vmem>>) offsets(%dma_start3A_20 : memref<256xi32, #tpu.memory_space<vmem>>) semaphore(%arg15 : memref<!tpu.dma_semaphore, #tpu.memory_space<semaphore_mem>>)
    %dma_start3A_23 = arith.constant 256 : i32
    %dma_start3A_24 = tpu.memref_slice %arg11[%dma_start3A_23] : memref<512xf32, #tpu.memory_space<vmem>> -> memref<256xf32, #tpu.memory_space<vmem>>
    %dma_start3A_25 = arith.constant 256 : i32
    %dma_start3A_26 = tpu.memref_slice %arg8[%dma_start3A_25] : memref<512xi32, #tpu.memory_space<vmem>> -> memref<256xi32, #tpu.memory_space<vmem>>
    %dma_start3A_27 = arith.constant 0 : i32
    %dma_start3A_28 = tpu.memref_slice %arg5[%dma_start3A_27] : memref<100000xf32, #tpu.memory_space<hbm>> -> memref<100000xf32, #tpu.memory_space<hbm>>
    tpu.enqueue_indirect_dma source(%dma_start3A_28 : memref<100000xf32, #tpu.memory_space<hbm>>) target(%dma_start3A_24 : memref<256xf32, #tpu.memory_space<vmem>>) offsets(%dma_start3A_26 : memref<256xi32, #tpu.memory_space<vmem>>) semaphore(%arg15 : memref<!tpu.dma_semaphore, #tpu.memory_space<semaphore_mem>>)
    %dma_start3A_29 = arith.constant 256 : i32
    %dma_start3A_30 = tpu.memref_slice %arg12[%dma_start3A_29] : memref<512xf32, #tpu.memory_space<vmem>> -> memref<256xf32, #tpu.memory_space<vmem>>
    %dma_start3A_31 = arith.constant 256 : i32
    %dma_start3A_32 = tpu.memref_slice %arg9[%dma_start3A_31] : memref<512xi32, #tpu.memory_space<vmem>> -> memref<256xi32, #tpu.memory_space<vmem>>
    %dma_start3A_33 = arith.constant 0 : i32
    %dma_start3A_34 = tpu.memref_slice %arg6[%dma_start3A_33] : memref<1000000xf32, #tpu.memory_space<hbm>> -> memref<1000000xf32, #tpu.memory_space<hbm>>
    tpu.enqueue_indirect_dma source(%dma_start3A_34 : memref<1000000xf32, #tpu.memory_space<hbm>>) target(%dma_start3A_30 : memref<256xf32, #tpu.memory_space<vmem>>) offsets(%dma_start3A_32 : memref<256xi32, #tpu.memory_space<vmem>>) semaphore(%arg15 : memref<!tpu.dma_semaphore, #tpu.memory_space<semaphore_mem>>)
    %dma_wait3A_35 = tpu.memref_slice %arg4[%mul3A_2] : memref<16384xf32, #tpu.memory_space<hbm>> -> memref<512xf32, #tpu.memory_space<hbm>>
    %dma_wait3A_36 = tpu.memref_slice %arg4[%mul3A_2] : memref<16384xf32, #tpu.memory_space<hbm>> -> memref<512xf32, #tpu.memory_space<hbm>>
    tpu.wait_dma2 semaphore(%arg14 : memref<!tpu.dma_semaphore, #tpu.memory_space<semaphore_mem>>) src(%dma_wait3A_36 : memref<512xf32, #tpu.memory_space<hbm>>) dst(%arg10 : memref<512xf32, #tpu.memory_space<vmem>>)
    %dma_wait3A_37 = arith.constant 0 : i32
    %dma_wait3A_38 = tpu.memref_slice %arg11[%dma_wait3A_37] : memref<512xf32, #tpu.memory_space<vmem>> -> memref<256xf32, #tpu.memory_space<vmem>>
    %dma_wait3A_39 = arith.constant 0 : i32
    %dma_wait3A_40 = tpu.memref_slice %arg8[%dma_wait3A_39] : memref<512xi32, #tpu.memory_space<vmem>> -> memref<256xi32, #tpu.memory_space<vmem>>
    %dma_wait3A_41 = arith.constant 0 : i32
    %dma_wait3A_42 = tpu.memref_slice %arg5[%dma_wait3A_41] : memref<100000xf32, #tpu.memory_space<hbm>> -> memref<100000xf32, #tpu.memory_space<hbm>>
    tpu.wait_indirect_dma semaphore(%arg15 : memref<!tpu.dma_semaphore, #tpu.memory_space<semaphore_mem>>) src(%dma_wait3A_42 : memref<100000xf32, #tpu.memory_space<hbm>>) dst(%dma_wait3A_38 : memref<256xf32, #tpu.memory_space<vmem>>)
    %dma_wait3A_43 = arith.constant 0 : i32
    %dma_wait3A_44 = tpu.memref_slice %arg12[%dma_wait3A_43] : memref<512xf32, #tpu.memory_space<vmem>> -> memref<256xf32, #tpu.memory_space<vmem>>
    %dma_wait3A_45 = arith.constant 0 : i32
    %dma_wait3A_46 = tpu.memref_slice %arg9[%dma_wait3A_45] : memref<512xi32, #tpu.memory_space<vmem>> -> memref<256xi32, #tpu.memory_space<vmem>>
    %dma_wait3A_47 = arith.constant 0 : i32
    %dma_wait3A_48 = tpu.memref_slice %arg6[%dma_wait3A_47] : memref<1000000xf32, #tpu.memory_space<hbm>> -> memref<1000000xf32, #tpu.memory_space<hbm>>
    tpu.wait_indirect_dma semaphore(%arg15 : memref<!tpu.dma_semaphore, #tpu.memory_space<semaphore_mem>>) src(%dma_wait3A_48 : memref<1000000xf32, #tpu.memory_space<hbm>>) dst(%dma_wait3A_44 : memref<256xf32, #tpu.memory_space<vmem>>)
    %broadcast_in_dim3A = arith.constant 0.000000e+00 : f32
    %broadcast_in_dim3A_49 = vector.broadcast %broadcast_in_dim3A : f32 to vector<16xf32>
    %broadcast_in_dim3A_50 = arith.constant 0.000000e+00 : f32
    %broadcast_in_dim3A_51 = vector.broadcast %broadcast_in_dim3A_50 : f32 to vector<16xf32>
    %get3A = arith.constant 0 : index
    %get3A_52 = tpu.vector_load %arg11[%get3A] {strides = array<i32>} : memref<512xf32, #tpu.memory_space<vmem>>, vector<16xf32>,
    %get3A_53 = vector.shape_cast %get3A_52 : vector<16xf32> to vector<16xf32>
    %get3A_54 = arith.constant 0 : index
    %get3A_55 = tpu.vector_load %arg12[%get3A_54] {strides = array<i32>} : memref<512xf32, #tpu.memory_space<vmem>>, vector<16xf32>,
    %get3A_56 = vector.shape_cast %get3A_55 : vector<16xf32> to vector<16xf32>
    %add3A_57 = arith.addf %get3A_53, %get3A_56 : vector<16xf32>
    %get3A_58 = arith.constant 0 : index
    %get3A_59 = tpu.vector_load %arg10[%get3A_58] {strides = array<i32>} : memref<512xf32, #tpu.memory_space<vmem>>, vector<16xf32>,
    %get3A_60 = vector.shape_cast %get3A_59 : vector<16xf32> to vector<16xf32>
    %sub3A = arith.subf %add3A_57, %get3A_60 : vector<16xf32>
    %mul3A_61 = arith.mulf %sub3A, %sub3A : vector<16xf32>
    %add3A_62 = arith.addf %broadcast_in_dim3A_49, %mul3A_61 : vector<16xf32>
    %add3A_63 = arith.addf %broadcast_in_dim3A_51, %sub3A : vector<16xf32>
    %get3A_64 = arith.constant 16 : index
    %get3A_65 = tpu.vector_load %arg11[%get3A_64] {strides = array<i32>} : memref<512xf32, #tpu.memory_space<vmem>>, vector<16xf32>,
    %get3A_66 = vector.shape_cast %get3A_65 : vector<16xf32> to vector<16xf32>
    %get3A_67 = arith.constant 16 : index
    %get3A_68 = tpu.vector_load %arg12[%get3A_67] {strides = array<i32>} : memref<512xf32, #tpu.memory_space<vmem>>, vector<16xf32>,
    %get3A_69 = vector.shape_cast %get3A_68 : vector<16xf32> to vector<16xf32>
    %add3A_70 = arith.addf %get3A_66, %get3A_69 : vector<16xf32>
    %get3A_71 = arith.constant 16 : index
    %get3A_72 = tpu.vector_load %arg10[%get3A_71] {strides = array<i32>} : memref<512xf32, #tpu.memory_space<vmem>>, vector<16xf32>,
    %get3A_73 = vector.shape_cast %get3A_72 : vector<16xf32> to vector<16xf32>
    %sub3A_74 = arith.subf %add3A_70, %get3A_73 : vector<16xf32>
    %mul3A_75 = arith.mulf %sub3A_74, %sub3A_74 : vector<16xf32>
    %add3A_76 = arith.addf %add3A_62, %mul3A_75 : vector<16xf32>
    %add3A_77 = arith.addf %add3A_63, %sub3A_74 : vector<16xf32>
    %get3A_78 = arith.constant 32 : index
    %get3A_79 = tpu.vector_load %arg11[%get3A_78] {strides = array<i32>} : memref<512xf32, #tpu.memory_space<vmem>>, vector<16xf32>,
    %get3A_80 = vector.shape_cast %get3A_79 : vector<16xf32> to vector<16xf32>
    %get3A_81 = arith.constant 32 : index
    %get3A_82 = tpu.vector_load %arg12[%get3A_81] {strides = array<i32>} : memref<512xf32, #tpu.memory_space<vmem>>, vector<16xf32>,
    %get3A_83 = vector.shape_cast %get3A_82 : vector<16xf32> to vector<16xf32>
    %add3A_84 = arith.addf %get3A_80, %get3A_83 : vector<16xf32>
    %get3A_85 = arith.constant 32 : index
    %get3A_86 = tpu.vector_load %arg10[%get3A_85] {strides = array<i32>} : memref<512xf32, #tpu.memory_space<vmem>>, vector<16xf32>,
    %get3A_87 = vector.shape_cast %get3A_86 : vector<16xf32> to vector<16xf32>
    %sub3A_88 = arith.subf %add3A_84, %get3A_87 : vector<16xf32>
    %mul3A_89 = arith.mulf %sub3A_88, %sub3A_88 : vector<16xf32>
    %add3A_90 = arith.addf %add3A_76, %mul3A_89 : vector<16xf32>
    %add3A_91 = arith.addf %add3A_77, %sub3A_88 : vector<16xf32>
    %get3A_92 = arith.constant 48 : index
    %get3A_93 = tpu.vector_load %arg11[%get3A_92] {strides = array<i32>} : memref<512xf32, #tpu.memory_space<vmem>>, vector<16xf32>,
    %get3A_94 = vector.shape_cast %get3A_93 : vector<16xf32> to vector<16xf32>
    %get3A_95 = arith.constant 48 : index
    %get3A_96 = tpu.vector_load %arg12[%get3A_95] {strides = array<i32>} : memref<512xf32, #tpu.memory_space<vmem>>, vector<16xf32>,
    %get3A_97 = vector.shape_cast %get3A_96 : vector<16xf32> to vector<16xf32>
    %add3A_98 = arith.addf %get3A_94, %get3A_97 : vector<16xf32>
    %get3A_99 = arith.constant 48 : index
    %get3A_100 = tpu.vector_load %arg10[%get3A_99] {strides = array<i32>} : memref<512xf32, #tpu.memory_space<vmem>>, vector<16xf32>,
    %get3A_101 = vector.shape_cast %get3A_100 : vector<16xf32> to vector<16xf32>
    %sub3A_102 = arith.subf %add3A_98, %get3A_101 : vector<16xf32>
    %mul3A_103 = arith.mulf %sub3A_102, %sub3A_102 : vector<16xf32>
    %add3A_104 = arith.addf %add3A_90, %mul3A_103 : vector<16xf32>
    %add3A_105 = arith.addf %add3A_91, %sub3A_102 : vector<16xf32>
    %get3A_106 = arith.constant 64 : index
    %get3A_107 = tpu.vector_load %arg11[%get3A_106] {strides = array<i32>} : memref<512xf32, #tpu.memory_space<vmem>>, vector<16xf32>,
    %get3A_108 = vector.shape_cast %get3A_107 : vector<16xf32> to vector<16xf32>
    %get3A_109 = arith.constant 64 : index
    %get3A_110 = tpu.vector_load %arg12[%get3A_109] {strides = array<i32>} : memref<512xf32, #tpu.memory_space<vmem>>, vector<16xf32>,
    %get3A_111 = vector.shape_cast %get3A_110 : vector<16xf32> to vector<16xf32>
    %add3A_112 = arith.addf %get3A_108, %get3A_111 : vector<16xf32>
    %get3A_113 = arith.constant 64 : index
    %get3A_114 = tpu.vector_load %arg10[%get3A_113] {strides = array<i32>} : memref<512xf32, #tpu.memory_space<vmem>>, vector<16xf32>,
    %get3A_115 = vector.shape_cast %get3A_114 : vector<16xf32> to vector<16xf32>
    %sub3A_116 = arith.subf %add3A_112, %get3A_115 : vector<16xf32>
    %mul3A_117 = arith.mulf %sub3A_116, %sub3A_116 : vector<16xf32>
    %add3A_118 = arith.addf %add3A_104, %mul3A_117 : vector<16xf32>
    %add3A_119 = arith.addf %add3A_105, %sub3A_116 : vector<16xf32>
    %get3A_120 = arith.constant 80 : index
    %get3A_121 = tpu.vector_load %arg11[%get3A_120] {strides = array<i32>} : memref<512xf32, #tpu.memory_space<vmem>>, vector<16xf32>,
    %get3A_122 = vector.shape_cast %get3A_121 : vector<16xf32> to vector<16xf32>
    %get3A_123 = arith.constant 80 : index
    %get3A_124 = tpu.vector_load %arg12[%get3A_123] {strides = array<i32>} : memref<512xf32, #tpu.memory_space<vmem>>, vector<16xf32>,
    %get3A_125 = vector.shape_cast %get3A_124 : vector<16xf32> to vector<16xf32>
    %add3A_126 = arith.addf %get3A_122, %get3A_125 : vector<16xf32>
    %get3A_127 = arith.constant 80 : index
    %get3A_128 = tpu.vector_load %arg10[%get3A_127] {strides = array<i32>} : memref<512xf32, #tpu.memory_space<vmem>>, vector<16xf32>,
    %get3A_129 = vector.shape_cast %get3A_128 : vector<16xf32> to vector<16xf32>
    %sub3A_130 = arith.subf %add3A_126, %get3A_129 : vector<16xf32>
    %mul3A_131 = arith.mulf %sub3A_130, %sub3A_130 : vector<16xf32>
    %add3A_132 = arith.addf %add3A_118, %mul3A_131 : vector<16xf32>
    %add3A_133 = arith.addf %add3A_119, %sub3A_130 : vector<16xf32>
    %get3A_134 = arith.constant 96 : index
    %get3A_135 = tpu.vector_load %arg11[%get3A_134] {strides = array<i32>} : memref<512xf32, #tpu.memory_space<vmem>>, vector<16xf32>,
    %get3A_136 = vector.shape_cast %get3A_135 : vector<16xf32> to vector<16xf32>
    %get3A_137 = arith.constant 96 : index
    %get3A_138 = tpu.vector_load %arg12[%get3A_137] {strides = array<i32>} : memref<512xf32, #tpu.memory_space<vmem>>, vector<16xf32>,
    %get3A_139 = vector.shape_cast %get3A_138 : vector<16xf32> to vector<16xf32>
    %add3A_140 = arith.addf %get3A_136, %get3A_139 : vector<16xf32>
    %get3A_141 = arith.constant 96 : index
    %get3A_142 = tpu.vector_load %arg10[%get3A_141] {strides = array<i32>} : memref<512xf32, #tpu.memory_space<vmem>>, vector<16xf32>,
    %get3A_143 = vector.shape_cast %get3A_142 : vector<16xf32> to vector<16xf32>
    %sub3A_144 = arith.subf %add3A_140, %get3A_143 : vector<16xf32>
    %mul3A_145 = arith.mulf %sub3A_144, %sub3A_144 : vector<16xf32>
    %add3A_146 = arith.addf %add3A_132, %mul3A_145 : vector<16xf32>
    %add3A_147 = arith.addf %add3A_133, %sub3A_144 : vector<16xf32>
    %get3A_148 = arith.constant 112 : index
    %get3A_149 = tpu.vector_load %arg11[%get3A_148] {strides = array<i32>} : memref<512xf32, #tpu.memory_space<vmem>>, vector<16xf32>,
    %get3A_150 = vector.shape_cast %get3A_149 : vector<16xf32> to vector<16xf32>
    %get3A_151 = arith.constant 112 : index
    %get3A_152 = tpu.vector_load %arg12[%get3A_151] {strides = array<i32>} : memref<512xf32, #tpu.memory_space<vmem>>, vector<16xf32>,
    %get3A_153 = vector.shape_cast %get3A_152 : vector<16xf32> to vector<16xf32>
    %add3A_154 = arith.addf %get3A_150, %get3A_153 : vector<16xf32>
    %get3A_155 = arith.constant 112 : index
    %get3A_156 = tpu.vector_load %arg10[%get3A_155] {strides = array<i32>} : memref<512xf32, #tpu.memory_space<vmem>>, vector<16xf32>,
    %get3A_157 = vector.shape_cast %get3A_156 : vector<16xf32> to vector<16xf32>
    %sub3A_158 = arith.subf %add3A_154, %get3A_157 : vector<16xf32>
    %mul3A_159 = arith.mulf %sub3A_158, %sub3A_158 : vector<16xf32>
    %add3A_160 = arith.addf %add3A_146, %mul3A_159 : vector<16xf32>
    %add3A_161 = arith.addf %add3A_147, %sub3A_158 : vector<16xf32>
    %get3A_162 = arith.constant 128 : index
    %get3A_163 = tpu.vector_load %arg11[%get3A_162] {strides = array<i32>} : memref<512xf32, #tpu.memory_space<vmem>>, vector<16xf32>,
    %get3A_164 = vector.shape_cast %get3A_163 : vector<16xf32> to vector<16xf32>
    %get3A_165 = arith.constant 128 : index
    %get3A_166 = tpu.vector_load %arg12[%get3A_165] {strides = array<i32>} : memref<512xf32, #tpu.memory_space<vmem>>, vector<16xf32>,
    %get3A_167 = vector.shape_cast %get3A_166 : vector<16xf32> to vector<16xf32>
    %add3A_168 = arith.addf %get3A_164, %get3A_167 : vector<16xf32>
    %get3A_169 = arith.constant 128 : index
    %get3A_170 = tpu.vector_load %arg10[%get3A_169] {strides = array<i32>} : memref<512xf32, #tpu.memory_space<vmem>>, vector<16xf32>,
    %get3A_171 = vector.shape_cast %get3A_170 : vector<16xf32> to vector<16xf32>
    %sub3A_172 = arith.subf %add3A_168, %get3A_171 : vector<16xf32>
    %mul3A_173 = arith.mulf %sub3A_172, %sub3A_172 : vector<16xf32>
    %add3A_174 = arith.addf %add3A_160, %mul3A_173 : vector<16xf32>
    %add3A_175 = arith.addf %add3A_161, %sub3A_172 : vector<16xf32>
    %get3A_176 = arith.constant 144 : index
    %get3A_177 = tpu.vector_load %arg11[%get3A_176] {strides = array<i32>} : memref<512xf32, #tpu.memory_space<vmem>>, vector<16xf32>,
    %get3A_178 = vector.shape_cast %get3A_177 : vector<16xf32> to vector<16xf32>
    %get3A_179 = arith.constant 144 : index
    %get3A_180 = tpu.vector_load %arg12[%get3A_179] {strides = array<i32>} : memref<512xf32, #tpu.memory_space<vmem>>, vector<16xf32>,
    %get3A_181 = vector.shape_cast %get3A_180 : vector<16xf32> to vector<16xf32>
    %add3A_182 = arith.addf %get3A_178, %get3A_181 : vector<16xf32>
    %get3A_183 = arith.constant 144 : index
    %get3A_184 = tpu.vector_load %arg10[%get3A_183] {strides = array<i32>} : memref<512xf32, #tpu.memory_space<vmem>>, vector<16xf32>,
    %get3A_185 = vector.shape_cast %get3A_184 : vector<16xf32> to vector<16xf32>
    %sub3A_186 = arith.subf %add3A_182, %get3A_185 : vector<16xf32>
    %mul3A_187 = arith.mulf %sub3A_186, %sub3A_186 : vector<16xf32>
    %add3A_188 = arith.addf %add3A_174, %mul3A_187 : vector<16xf32>
    %add3A_189 = arith.addf %add3A_175, %sub3A_186 : vector<16xf32>
    %get3A_190 = arith.constant 160 : index
    %get3A_191 = tpu.vector_load %arg11[%get3A_190] {strides = array<i32>} : memref<512xf32, #tpu.memory_space<vmem>>, vector<16xf32>,
    %get3A_192 = vector.shape_cast %get3A_191 : vector<16xf32> to vector<16xf32>
    %get3A_193 = arith.constant 160 : index
    %get3A_194 = tpu.vector_load %arg12[%get3A_193] {strides = array<i32>} : memref<512xf32, #tpu.memory_space<vmem>>, vector<16xf32>,
    %get3A_195 = vector.shape_cast %get3A_194 : vector<16xf32> to vector<16xf32>
    %add3A_196 = arith.addf %get3A_192, %get3A_195 : vector<16xf32>
    %get3A_197 = arith.constant 160 : index
    %get3A_198 = tpu.vector_load %arg10[%get3A_197] {strides = array<i32>} : memref<512xf32, #tpu.memory_space<vmem>>, vector<16xf32>,
    %get3A_199 = vector.shape_cast %get3A_198 : vector<16xf32> to vector<16xf32>
    %sub3A_200 = arith.subf %add3A_196, %get3A_199 : vector<16xf32>
    %mul3A_201 = arith.mulf %sub3A_200, %sub3A_200 : vector<16xf32>
    %add3A_202 = arith.addf %add3A_188, %mul3A_201 : vector<16xf32>
    %add3A_203 = arith.addf %add3A_189, %sub3A_200 : vector<16xf32>
    %get3A_204 = arith.constant 176 : index
    %get3A_205 = tpu.vector_load %arg11[%get3A_204] {strides = array<i32>} : memref<512xf32, #tpu.memory_space<vmem>>, vector<16xf32>,
    %get3A_206 = vector.shape_cast %get3A_205 : vector<16xf32> to vector<16xf32>
    %get3A_207 = arith.constant 176 : index
    %get3A_208 = tpu.vector_load %arg12[%get3A_207] {strides = array<i32>} : memref<512xf32, #tpu.memory_space<vmem>>, vector<16xf32>,
    %get3A_209 = vector.shape_cast %get3A_208 : vector<16xf32> to vector<16xf32>
    %add3A_210 = arith.addf %get3A_206, %get3A_209 : vector<16xf32>
    %get3A_211 = arith.constant 176 : index
    %get3A_212 = tpu.vector_load %arg10[%get3A_211] {strides = array<i32>} : memref<512xf32, #tpu.memory_space<vmem>>, vector<16xf32>,
    %get3A_213 = vector.shape_cast %get3A_212 : vector<16xf32> to vector<16xf32>
    %sub3A_214 = arith.subf %add3A_210, %get3A_213 : vector<16xf32>
    %mul3A_215 = arith.mulf %sub3A_214, %sub3A_214 : vector<16xf32>
    %add3A_216 = arith.addf %add3A_202, %mul3A_215 : vector<16xf32>
    %add3A_217 = arith.addf %add3A_203, %sub3A_214 : vector<16xf32>
    %get3A_218 = arith.constant 192 : index
    %get3A_219 = tpu.vector_load %arg11[%get3A_218] {strides = array<i32>} : memref<512xf32, #tpu.memory_space<vmem>>, vector<16xf32>,
    %get3A_220 = vector.shape_cast %get3A_219 : vector<16xf32> to vector<16xf32>
    %get3A_221 = arith.constant 192 : index
    %get3A_222 = tpu.vector_load %arg12[%get3A_221] {strides = array<i32>} : memref<512xf32, #tpu.memory_space<vmem>>, vector<16xf32>,
    %get3A_223 = vector.shape_cast %get3A_222 : vector<16xf32> to vector<16xf32>
    %add3A_224 = arith.addf %get3A_220, %get3A_223 : vector<16xf32>
    %get3A_225 = arith.constant 192 : index
    %get3A_226 = tpu.vector_load %arg10[%get3A_225] {strides = array<i32>} : memref<512xf32, #tpu.memory_space<vmem>>, vector<16xf32>,
    %get3A_227 = vector.shape_cast %get3A_226 : vector<16xf32> to vector<16xf32>
    %sub3A_228 = arith.subf %add3A_224, %get3A_227 : vector<16xf32>
    %mul3A_229 = arith.mulf %sub3A_228, %sub3A_228 : vector<16xf32>
    %add3A_230 = arith.addf %add3A_216, %mul3A_229 : vector<16xf32>
    %add3A_231 = arith.addf %add3A_217, %sub3A_228 : vector<16xf32>
    %get3A_232 = arith.constant 208 : index
    %get3A_233 = tpu.vector_load %arg11[%get3A_232] {strides = array<i32>} : memref<512xf32, #tpu.memory_space<vmem>>, vector<16xf32>,
    %get3A_234 = vector.shape_cast %get3A_233 : vector<16xf32> to vector<16xf32>
    %get3A_235 = arith.constant 208 : index
    %get3A_236 = tpu.vector_load %arg12[%get3A_235] {strides = array<i32>} : memref<512xf32, #tpu.memory_space<vmem>>, vector<16xf32>,
    %get3A_237 = vector.shape_cast %get3A_236 : vector<16xf32> to vector<16xf32>
    %add3A_238 = arith.addf %get3A_234, %get3A_237 : vector<16xf32>
    %get3A_239 = arith.constant 208 : index
    %get3A_240 = tpu.vector_load %arg10[%get3A_239] {strides = array<i32>} : memref<512xf32, #tpu.memory_space<vmem>>, vector<16xf32>,
    %get3A_241 = vector.shape_cast %get3A_240 : vector<16xf32> to vector<16xf32>
    %sub3A_242 = arith.subf %add3A_238, %get3A_241 : vector<16xf32>
    %mul3A_243 = arith.mulf %sub3A_242, %sub3A_242 : vector<16xf32>
    %add3A_244 = arith.addf %add3A_230, %mul3A_243 : vector<16xf32>
    %add3A_245 = arith.addf %add3A_231, %sub3A_242 : vector<16xf32>
    %get3A_246 = arith.constant 224 : index
    %get3A_247 = tpu.vector_load %arg11[%get3A_246] {strides = array<i32>} : memref<512xf32, #tpu.memory_space<vmem>>, vector<16xf32>,
    %get3A_248 = vector.shape_cast %get3A_247 : vector<16xf32> to vector<16xf32>
    %get3A_249 = arith.constant 224 : index
    %get3A_250 = tpu.vector_load %arg12[%get3A_249] {strides = array<i32>} : memref<512xf32, #tpu.memory_space<vmem>>, vector<16xf32>,
    %get3A_251 = vector.shape_cast %get3A_250 : vector<16xf32> to vector<16xf32>
    %add3A_252 = arith.addf %get3A_248, %get3A_251 : vector<16xf32>
    %get3A_253 = arith.constant 224 : index
    %get3A_254 = tpu.vector_load %arg10[%get3A_253] {strides = array<i32>} : memref<512xf32, #tpu.memory_space<vmem>>, vector<16xf32>,
    %get3A_255 = vector.shape_cast %get3A_254 : vector<16xf32> to vector<16xf32>
    %sub3A_256 = arith.subf %add3A_252, %get3A_255 : vector<16xf32>
    %mul3A_257 = arith.mulf %sub3A_256, %sub3A_256 : vector<16xf32>
    %add3A_258 = arith.addf %add3A_244, %mul3A_257 : vector<16xf32>
    %add3A_259 = arith.addf %add3A_245, %sub3A_256 : vector<16xf32>
    %get3A_260 = arith.constant 240 : index
    %get3A_261 = tpu.vector_load %arg11[%get3A_260] {strides = array<i32>} : memref<512xf32, #tpu.memory_space<vmem>>, vector<16xf32>,
    %get3A_262 = vector.shape_cast %get3A_261 : vector<16xf32> to vector<16xf32>
    %get3A_263 = arith.constant 240 : index
    %get3A_264 = tpu.vector_load %arg12[%get3A_263] {strides = array<i32>} : memref<512xf32, #tpu.memory_space<vmem>>, vector<16xf32>,
    %get3A_265 = vector.shape_cast %get3A_264 : vector<16xf32> to vector<16xf32>
    %add3A_266 = arith.addf %get3A_262, %get3A_265 : vector<16xf32>
    %get3A_267 = arith.constant 240 : index
    %get3A_268 = tpu.vector_load %arg10[%get3A_267] {strides = array<i32>} : memref<512xf32, #tpu.memory_space<vmem>>, vector<16xf32>,
    %get3A_269 = vector.shape_cast %get3A_268 : vector<16xf32> to vector<16xf32>
    %sub3A_270 = arith.subf %add3A_266, %get3A_269 : vector<16xf32>
    %mul3A_271 = arith.mulf %sub3A_270, %sub3A_270 : vector<16xf32>
    %add3A_272 = arith.addf %add3A_258, %mul3A_271 : vector<16xf32>
    %add3A_273 = arith.addf %add3A_259, %sub3A_270 : vector<16xf32>
    %dma_wait3A_274 = arith.constant 256 : i32
    %dma_wait3A_275 = tpu.memref_slice %arg11[%dma_wait3A_274] : memref<512xf32, #tpu.memory_space<vmem>> -> memref<256xf32, #tpu.memory_space<vmem>>
    %dma_wait3A_276 = arith.constant 256 : i32
    %dma_wait3A_277 = tpu.memref_slice %arg8[%dma_wait3A_276] : memref<512xi32, #tpu.memory_space<vmem>> -> memref<256xi32, #tpu.memory_space<vmem>>
    %dma_wait3A_278 = arith.constant 0 : i32
    %dma_wait3A_279 = tpu.memref_slice %arg5[%dma_wait3A_278] : memref<100000xf32, #tpu.memory_space<hbm>> -> memref<100000xf32, #tpu.memory_space<hbm>>
    tpu.wait_indirect_dma semaphore(%arg15 : memref<!tpu.dma_semaphore, #tpu.memory_space<semaphore_mem>>) src(%dma_wait3A_279 : memref<100000xf32, #tpu.memory_space<hbm>>) dst(%dma_wait3A_275 : memref<256xf32, #tpu.memory_space<vmem>>)
    %dma_wait3A_280 = arith.constant 256 : i32
    %dma_wait3A_281 = tpu.memref_slice %arg12[%dma_wait3A_280] : memref<512xf32, #tpu.memory_space<vmem>> -> memref<256xf32, #tpu.memory_space<vmem>>
    %dma_wait3A_282 = arith.constant 256 : i32
    %dma_wait3A_283 = tpu.memref_slice %arg9[%dma_wait3A_282] : memref<512xi32, #tpu.memory_space<vmem>> -> memref<256xi32, #tpu.memory_space<vmem>>
    %dma_wait3A_284 = arith.constant 0 : i32
    %dma_wait3A_285 = tpu.memref_slice %arg6[%dma_wait3A_284] : memref<1000000xf32, #tpu.memory_space<hbm>> -> memref<1000000xf32, #tpu.memory_space<hbm>>
    tpu.wait_indirect_dma semaphore(%arg15 : memref<!tpu.dma_semaphore, #tpu.memory_space<semaphore_mem>>) src(%dma_wait3A_285 : memref<1000000xf32, #tpu.memory_space<hbm>>) dst(%dma_wait3A_281 : memref<256xf32, #tpu.memory_space<vmem>>)
    %get3A_286 = arith.constant 256 : index
    %get3A_287 = tpu.vector_load %arg11[%get3A_286] {strides = array<i32>} : memref<512xf32, #tpu.memory_space<vmem>>, vector<16xf32>,
    %get3A_288 = vector.shape_cast %get3A_287 : vector<16xf32> to vector<16xf32>
    %get3A_289 = arith.constant 256 : index
    %get3A_290 = tpu.vector_load %arg12[%get3A_289] {strides = array<i32>} : memref<512xf32, #tpu.memory_space<vmem>>, vector<16xf32>,
    %get3A_291 = vector.shape_cast %get3A_290 : vector<16xf32> to vector<16xf32>
    %add3A_292 = arith.addf %get3A_288, %get3A_291 : vector<16xf32>
    %get3A_293 = arith.constant 256 : index
    %get3A_294 = tpu.vector_load %arg10[%get3A_293] {strides = array<i32>} : memref<512xf32, #tpu.memory_space<vmem>>, vector<16xf32>,
    %get3A_295 = vector.shape_cast %get3A_294 : vector<16xf32> to vector<16xf32>
    %sub3A_296 = arith.subf %add3A_292, %get3A_295 : vector<16xf32>
    %mul3A_297 = arith.mulf %sub3A_296, %sub3A_296 : vector<16xf32>
    %add3A_298 = arith.addf %add3A_272, %mul3A_297 : vector<16xf32>
    %add3A_299 = arith.addf %add3A_273, %sub3A_296 : vector<16xf32>
    %get3A_300 = arith.constant 272 : index
    %get3A_301 = tpu.vector_load %arg11[%get3A_300] {strides = array<i32>} : memref<512xf32, #tpu.memory_space<vmem>>, vector<16xf32>,
    %get3A_302 = vector.shape_cast %get3A_301 : vector<16xf32> to vector<16xf32>
    %get3A_303 = arith.constant 272 : index
    %get3A_304 = tpu.vector_load %arg12[%get3A_303] {strides = array<i32>} : memref<512xf32, #tpu.memory_space<vmem>>, vector<16xf32>,
    %get3A_305 = vector.shape_cast %get3A_304 : vector<16xf32> to vector<16xf32>
    %add3A_306 = arith.addf %get3A_302, %get3A_305 : vector<16xf32>
    %get3A_307 = arith.constant 272 : index
    %get3A_308 = tpu.vector_load %arg10[%get3A_307] {strides = array<i32>} : memref<512xf32, #tpu.memory_space<vmem>>, vector<16xf32>,
    %get3A_309 = vector.shape_cast %get3A_308 : vector<16xf32> to vector<16xf32>
    %sub3A_310 = arith.subf %add3A_306, %get3A_309 : vector<16xf32>
    %mul3A_311 = arith.mulf %sub3A_310, %sub3A_310 : vector<16xf32>
    %add3A_312 = arith.addf %add3A_298, %mul3A_311 : vector<16xf32>
    %add3A_313 = arith.addf %add3A_299, %sub3A_310 : vector<16xf32>
    %get3A_314 = arith.constant 288 : index
    %get3A_315 = tpu.vector_load %arg11[%get3A_314] {strides = array<i32>} : memref<512xf32, #tpu.memory_space<vmem>>, vector<16xf32>,
    %get3A_316 = vector.shape_cast %get3A_315 : vector<16xf32> to vector<16xf32>
    %get3A_317 = arith.constant 288 : index
    %get3A_318 = tpu.vector_load %arg12[%get3A_317] {strides = array<i32>} : memref<512xf32, #tpu.memory_space<vmem>>, vector<16xf32>,
    %get3A_319 = vector.shape_cast %get3A_318 : vector<16xf32> to vector<16xf32>
    %add3A_320 = arith.addf %get3A_316, %get3A_319 : vector<16xf32>
    %get3A_321 = arith.constant 288 : index
    %get3A_322 = tpu.vector_load %arg10[%get3A_321] {strides = array<i32>} : memref<512xf32, #tpu.memory_space<vmem>>, vector<16xf32>,
    %get3A_323 = vector.shape_cast %get3A_322 : vector<16xf32> to vector<16xf32>
    %sub3A_324 = arith.subf %add3A_320, %get3A_323 : vector<16xf32>
    %mul3A_325 = arith.mulf %sub3A_324, %sub3A_324 : vector<16xf32>
    %add3A_326 = arith.addf %add3A_312, %mul3A_325 : vector<16xf32>
    %add3A_327 = arith.addf %add3A_313, %sub3A_324 : vector<16xf32>
    %get3A_328 = arith.constant 304 : index
    %get3A_329 = tpu.vector_load %arg11[%get3A_328] {strides = array<i32>} : memref<512xf32, #tpu.memory_space<vmem>>, vector<16xf32>,
    %get3A_330 = vector.shape_cast %get3A_329 : vector<16xf32> to vector<16xf32>
    %get3A_331 = arith.constant 304 : index
    %get3A_332 = tpu.vector_load %arg12[%get3A_331] {strides = array<i32>} : memref<512xf32, #tpu.memory_space<vmem>>, vector<16xf32>,
    %get3A_333 = vector.shape_cast %get3A_332 : vector<16xf32> to vector<16xf32>
    %add3A_334 = arith.addf %get3A_330, %get3A_333 : vector<16xf32>
    %get3A_335 = arith.constant 304 : index
    %get3A_336 = tpu.vector_load %arg10[%get3A_335] {strides = array<i32>} : memref<512xf32, #tpu.memory_space<vmem>>, vector<16xf32>,
    %get3A_337 = vector.shape_cast %get3A_336 : vector<16xf32> to vector<16xf32>
    %sub3A_338 = arith.subf %add3A_334, %get3A_337 : vector<16xf32>
    %mul3A_339 = arith.mulf %sub3A_338, %sub3A_338 : vector<16xf32>
    %add3A_340 = arith.addf %add3A_326, %mul3A_339 : vector<16xf32>
    %add3A_341 = arith.addf %add3A_327, %sub3A_338 : vector<16xf32>
    %get3A_342 = arith.constant 320 : index
    %get3A_343 = tpu.vector_load %arg11[%get3A_342] {strides = array<i32>} : memref<512xf32, #tpu.memory_space<vmem>>, vector<16xf32>,
    %get3A_344 = vector.shape_cast %get3A_343 : vector<16xf32> to vector<16xf32>
    %get3A_345 = arith.constant 320 : index
    %get3A_346 = tpu.vector_load %arg12[%get3A_345] {strides = array<i32>} : memref<512xf32, #tpu.memory_space<vmem>>, vector<16xf32>,
    %get3A_347 = vector.shape_cast %get3A_346 : vector<16xf32> to vector<16xf32>
    %add3A_348 = arith.addf %get3A_344, %get3A_347 : vector<16xf32>
    %get3A_349 = arith.constant 320 : index
    %get3A_350 = tpu.vector_load %arg10[%get3A_349] {strides = array<i32>} : memref<512xf32, #tpu.memory_space<vmem>>, vector<16xf32>,
    %get3A_351 = vector.shape_cast %get3A_350 : vector<16xf32> to vector<16xf32>
    %sub3A_352 = arith.subf %add3A_348, %get3A_351 : vector<16xf32>
    %mul3A_353 = arith.mulf %sub3A_352, %sub3A_352 : vector<16xf32>
    %add3A_354 = arith.addf %add3A_340, %mul3A_353 : vector<16xf32>
    %add3A_355 = arith.addf %add3A_341, %sub3A_352 : vector<16xf32>
    %get3A_356 = arith.constant 336 : index
    %get3A_357 = tpu.vector_load %arg11[%get3A_356] {strides = array<i32>} : memref<512xf32, #tpu.memory_space<vmem>>, vector<16xf32>,
    %get3A_358 = vector.shape_cast %get3A_357 : vector<16xf32> to vector<16xf32>
    %get3A_359 = arith.constant 336 : index
    %get3A_360 = tpu.vector_load %arg12[%get3A_359] {strides = array<i32>} : memref<512xf32, #tpu.memory_space<vmem>>, vector<16xf32>,
    %get3A_361 = vector.shape_cast %get3A_360 : vector<16xf32> to vector<16xf32>
    %add3A_362 = arith.addf %get3A_358, %get3A_361 : vector<16xf32>
    %get3A_363 = arith.constant 336 : index
    %get3A_364 = tpu.vector_load %arg10[%get3A_363] {strides = array<i32>} : memref<512xf32, #tpu.memory_space<vmem>>, vector<16xf32>,
    %get3A_365 = vector.shape_cast %get3A_364 : vector<16xf32> to vector<16xf32>
    %sub3A_366 = arith.subf %add3A_362, %get3A_365 : vector<16xf32>
    %mul3A_367 = arith.mulf %sub3A_366, %sub3A_366 : vector<16xf32>
    %add3A_368 = arith.addf %add3A_354, %mul3A_367 : vector<16xf32>
    %add3A_369 = arith.addf %add3A_355, %sub3A_366 : vector<16xf32>
    %get3A_370 = arith.constant 352 : index
    %get3A_371 = tpu.vector_load %arg11[%get3A_370] {strides = array<i32>} : memref<512xf32, #tpu.memory_space<vmem>>, vector<16xf32>,
    %get3A_372 = vector.shape_cast %get3A_371 : vector<16xf32> to vector<16xf32>
    %get3A_373 = arith.constant 352 : index
    %get3A_374 = tpu.vector_load %arg12[%get3A_373] {strides = array<i32>} : memref<512xf32, #tpu.memory_space<vmem>>, vector<16xf32>,
    %get3A_375 = vector.shape_cast %get3A_374 : vector<16xf32> to vector<16xf32>
    %add3A_376 = arith.addf %get3A_372, %get3A_375 : vector<16xf32>
    %get3A_377 = arith.constant 352 : index
    %get3A_378 = tpu.vector_load %arg10[%get3A_377] {strides = array<i32>} : memref<512xf32, #tpu.memory_space<vmem>>, vector<16xf32>,
    %get3A_379 = vector.shape_cast %get3A_378 : vector<16xf32> to vector<16xf32>
    %sub3A_380 = arith.subf %add3A_376, %get3A_379 : vector<16xf32>
    %mul3A_381 = arith.mulf %sub3A_380, %sub3A_380 : vector<16xf32>
    %add3A_382 = arith.addf %add3A_368, %mul3A_381 : vector<16xf32>
    %add3A_383 = arith.addf %add3A_369, %sub3A_380 : vector<16xf32>
    %get3A_384 = arith.constant 368 : index
    %get3A_385 = tpu.vector_load %arg11[%get3A_384] {strides = array<i32>} : memref<512xf32, #tpu.memory_space<vmem>>, vector<16xf32>,
    %get3A_386 = vector.shape_cast %get3A_385 : vector<16xf32> to vector<16xf32>
    %get3A_387 = arith.constant 368 : index
    %get3A_388 = tpu.vector_load %arg12[%get3A_387] {strides = array<i32>} : memref<512xf32, #tpu.memory_space<vmem>>, vector<16xf32>,
    %get3A_389 = vector.shape_cast %get3A_388 : vector<16xf32> to vector<16xf32>
    %add3A_390 = arith.addf %get3A_386, %get3A_389 : vector<16xf32>
    %get3A_391 = arith.constant 368 : index
    %get3A_392 = tpu.vector_load %arg10[%get3A_391] {strides = array<i32>} : memref<512xf32, #tpu.memory_space<vmem>>, vector<16xf32>,
    %get3A_393 = vector.shape_cast %get3A_392 : vector<16xf32> to vector<16xf32>
    %sub3A_394 = arith.subf %add3A_390, %get3A_393 : vector<16xf32>
    %mul3A_395 = arith.mulf %sub3A_394, %sub3A_394 : vector<16xf32>
    %add3A_396 = arith.addf %add3A_382, %mul3A_395 : vector<16xf32>
    %add3A_397 = arith.addf %add3A_383, %sub3A_394 : vector<16xf32>
    %get3A_398 = arith.constant 384 : index
    %get3A_399 = tpu.vector_load %arg11[%get3A_398] {strides = array<i32>} : memref<512xf32, #tpu.memory_space<vmem>>, vector<16xf32>,
    %get3A_400 = vector.shape_cast %get3A_399 : vector<16xf32> to vector<16xf32>
    %get3A_401 = arith.constant 384 : index
    %get3A_402 = tpu.vector_load %arg12[%get3A_401] {strides = array<i32>} : memref<512xf32, #tpu.memory_space<vmem>>, vector<16xf32>,
    %get3A_403 = vector.shape_cast %get3A_402 : vector<16xf32> to vector<16xf32>
    %add3A_404 = arith.addf %get3A_400, %get3A_403 : vector<16xf32>
    %get3A_405 = arith.constant 384 : index
    %get3A_406 = tpu.vector_load %arg10[%get3A_405] {strides = array<i32>} : memref<512xf32, #tpu.memory_space<vmem>>, vector<16xf32>,
    %get3A_407 = vector.shape_cast %get3A_406 : vector<16xf32> to vector<16xf32>
    %sub3A_408 = arith.subf %add3A_404, %get3A_407 : vector<16xf32>
    %mul3A_409 = arith.mulf %sub3A_408, %sub3A_408 : vector<16xf32>
    %add3A_410 = arith.addf %add3A_396, %mul3A_409 : vector<16xf32>
    %add3A_411 = arith.addf %add3A_397, %sub3A_408 : vector<16xf32>
    %get3A_412 = arith.constant 400 : index
    %get3A_413 = tpu.vector_load %arg11[%get3A_412] {strides = array<i32>} : memref<512xf32, #tpu.memory_space<vmem>>, vector<16xf32>,
    %get3A_414 = vector.shape_cast %get3A_413 : vector<16xf32> to vector<16xf32>
    %get3A_415 = arith.constant 400 : index
    %get3A_416 = tpu.vector_load %arg12[%get3A_415] {strides = array<i32>} : memref<512xf32, #tpu.memory_space<vmem>>, vector<16xf32>,
    %get3A_417 = vector.shape_cast %get3A_416 : vector<16xf32> to vector<16xf32>
    %add3A_418 = arith.addf %get3A_414, %get3A_417 : vector<16xf32>
    %get3A_419 = arith.constant 400 : index
    %get3A_420 = tpu.vector_load %arg10[%get3A_419] {strides = array<i32>} : memref<512xf32, #tpu.memory_space<vmem>>, vector<16xf32>,
    %get3A_421 = vector.shape_cast %get3A_420 : vector<16xf32> to vector<16xf32>
    %sub3A_422 = arith.subf %add3A_418, %get3A_421 : vector<16xf32>
    %mul3A_423 = arith.mulf %sub3A_422, %sub3A_422 : vector<16xf32>
    %add3A_424 = arith.addf %add3A_410, %mul3A_423 : vector<16xf32>
    %add3A_425 = arith.addf %add3A_411, %sub3A_422 : vector<16xf32>
    %get3A_426 = arith.constant 416 : index
    %get3A_427 = tpu.vector_load %arg11[%get3A_426] {strides = array<i32>} : memref<512xf32, #tpu.memory_space<vmem>>, vector<16xf32>,
    %get3A_428 = vector.shape_cast %get3A_427 : vector<16xf32> to vector<16xf32>
    %get3A_429 = arith.constant 416 : index
    %get3A_430 = tpu.vector_load %arg12[%get3A_429] {strides = array<i32>} : memref<512xf32, #tpu.memory_space<vmem>>, vector<16xf32>,
    %get3A_431 = vector.shape_cast %get3A_430 : vector<16xf32> to vector<16xf32>
    %add3A_432 = arith.addf %get3A_428, %get3A_431 : vector<16xf32>
    %get3A_433 = arith.constant 416 : index
    %get3A_434 = tpu.vector_load %arg10[%get3A_433] {strides = array<i32>} : memref<512xf32, #tpu.memory_space<vmem>>, vector<16xf32>,
    %get3A_435 = vector.shape_cast %get3A_434 : vector<16xf32> to vector<16xf32>
    %sub3A_436 = arith.subf %add3A_432, %get3A_435 : vector<16xf32>
    %mul3A_437 = arith.mulf %sub3A_436, %sub3A_436 : vector<16xf32>
    %add3A_438 = arith.addf %add3A_424, %mul3A_437 : vector<16xf32>
    %add3A_439 = arith.addf %add3A_425, %sub3A_436 : vector<16xf32>
    %get3A_440 = arith.constant 432 : index
    %get3A_441 = tpu.vector_load %arg11[%get3A_440] {strides = array<i32>} : memref<512xf32, #tpu.memory_space<vmem>>, vector<16xf32>,
    %get3A_442 = vector.shape_cast %get3A_441 : vector<16xf32> to vector<16xf32>
    %get3A_443 = arith.constant 432 : index
    %get3A_444 = tpu.vector_load %arg12[%get3A_443] {strides = array<i32>} : memref<512xf32, #tpu.memory_space<vmem>>, vector<16xf32>,
    %get3A_445 = vector.shape_cast %get3A_444 : vector<16xf32> to vector<16xf32>
    %add3A_446 = arith.addf %get3A_442, %get3A_445 : vector<16xf32>
    %get3A_447 = arith.constant 432 : index
    %get3A_448 = tpu.vector_load %arg10[%get3A_447] {strides = array<i32>} : memref<512xf32, #tpu.memory_space<vmem>>, vector<16xf32>,
    %get3A_449 = vector.shape_cast %get3A_448 : vector<16xf32> to vector<16xf32>
    %sub3A_450 = arith.subf %add3A_446, %get3A_449 : vector<16xf32>
    %mul3A_451 = arith.mulf %sub3A_450, %sub3A_450 : vector<16xf32>
    %add3A_452 = arith.addf %add3A_438, %mul3A_451 : vector<16xf32>
    %add3A_453 = arith.addf %add3A_439, %sub3A_450 : vector<16xf32>
    %get3A_454 = arith.constant 448 : index
    %get3A_455 = tpu.vector_load %arg11[%get3A_454] {strides = array<i32>} : memref<512xf32, #tpu.memory_space<vmem>>, vector<16xf32>,
    %get3A_456 = vector.shape_cast %get3A_455 : vector<16xf32> to vector<16xf32>
    %get3A_457 = arith.constant 448 : index
    %get3A_458 = tpu.vector_load %arg12[%get3A_457] {strides = array<i32>} : memref<512xf32, #tpu.memory_space<vmem>>, vector<16xf32>,
    %get3A_459 = vector.shape_cast %get3A_458 : vector<16xf32> to vector<16xf32>
    %add3A_460 = arith.addf %get3A_456, %get3A_459 : vector<16xf32>
    %get3A_461 = arith.constant 448 : index
    %get3A_462 = tpu.vector_load %arg10[%get3A_461] {strides = array<i32>} : memref<512xf32, #tpu.memory_space<vmem>>, vector<16xf32>,
    %get3A_463 = vector.shape_cast %get3A_462 : vector<16xf32> to vector<16xf32>
    %sub3A_464 = arith.subf %add3A_460, %get3A_463 : vector<16xf32>
    %mul3A_465 = arith.mulf %sub3A_464, %sub3A_464 : vector<16xf32>
    %add3A_466 = arith.addf %add3A_452, %mul3A_465 : vector<16xf32>
    %add3A_467 = arith.addf %add3A_453, %sub3A_464 : vector<16xf32>
    %get3A_468 = arith.constant 464 : index
    %get3A_469 = tpu.vector_load %arg11[%get3A_468] {strides = array<i32>} : memref<512xf32, #tpu.memory_space<vmem>>, vector<16xf32>,
    %get3A_470 = vector.shape_cast %get3A_469 : vector<16xf32> to vector<16xf32>
    %get3A_471 = arith.constant 464 : index
    %get3A_472 = tpu.vector_load %arg12[%get3A_471] {strides = array<i32>} : memref<512xf32, #tpu.memory_space<vmem>>, vector<16xf32>,
    %get3A_473 = vector.shape_cast %get3A_472 : vector<16xf32> to vector<16xf32>
    %add3A_474 = arith.addf %get3A_470, %get3A_473 : vector<16xf32>
    %get3A_475 = arith.constant 464 : index
    %get3A_476 = tpu.vector_load %arg10[%get3A_475] {strides = array<i32>} : memref<512xf32, #tpu.memory_space<vmem>>, vector<16xf32>,
    %get3A_477 = vector.shape_cast %get3A_476 : vector<16xf32> to vector<16xf32>
    %sub3A_478 = arith.subf %add3A_474, %get3A_477 : vector<16xf32>
    %mul3A_479 = arith.mulf %sub3A_478, %sub3A_478 : vector<16xf32>
    %add3A_480 = arith.addf %add3A_466, %mul3A_479 : vector<16xf32>
    %add3A_481 = arith.addf %add3A_467, %sub3A_478 : vector<16xf32>
    %get3A_482 = arith.constant 480 : index
    %get3A_483 = tpu.vector_load %arg11[%get3A_482] {strides = array<i32>} : memref<512xf32, #tpu.memory_space<vmem>>, vector<16xf32>,
    %get3A_484 = vector.shape_cast %get3A_483 : vector<16xf32> to vector<16xf32>
    %get3A_485 = arith.constant 480 : index
    %get3A_486 = tpu.vector_load %arg12[%get3A_485] {strides = array<i32>} : memref<512xf32, #tpu.memory_space<vmem>>, vector<16xf32>,
    %get3A_487 = vector.shape_cast %get3A_486 : vector<16xf32> to vector<16xf32>
    %add3A_488 = arith.addf %get3A_484, %get3A_487 : vector<16xf32>
    %get3A_489 = arith.constant 480 : index
    %get3A_490 = tpu.vector_load %arg10[%get3A_489] {strides = array<i32>} : memref<512xf32, #tpu.memory_space<vmem>>, vector<16xf32>,
    %get3A_491 = vector.shape_cast %get3A_490 : vector<16xf32> to vector<16xf32>
    %sub3A_492 = arith.subf %add3A_488, %get3A_491 : vector<16xf32>
    %mul3A_493 = arith.mulf %sub3A_492, %sub3A_492 : vector<16xf32>
    %add3A_494 = arith.addf %add3A_480, %mul3A_493 : vector<16xf32>
    %add3A_495 = arith.addf %add3A_481, %sub3A_492 : vector<16xf32>
    %get3A_496 = arith.constant 496 : index
    %get3A_497 = tpu.vector_load %arg11[%get3A_496] {strides = array<i32>} : memref<512xf32, #tpu.memory_space<vmem>>, vector<16xf32>,
    %get3A_498 = vector.shape_cast %get3A_497 : vector<16xf32> to vector<16xf32>
    %get3A_499 = arith.constant 496 : index
    %get3A_500 = tpu.vector_load %arg12[%get3A_499] {strides = array<i32>} : memref<512xf32, #tpu.memory_space<vmem>>, vector<16xf32>,
    %get3A_501 = vector.shape_cast %get3A_500 : vector<16xf32> to vector<16xf32>
    %add3A_502 = arith.addf %get3A_498, %get3A_501 : vector<16xf32>
    %get3A_503 = arith.constant 496 : index
    %get3A_504 = tpu.vector_load %arg10[%get3A_503] {strides = array<i32>} : memref<512xf32, #tpu.memory_space<vmem>>, vector<16xf32>,
    %get3A_505 = vector.shape_cast %get3A_504 : vector<16xf32> to vector<16xf32>
    %sub3A_506 = arith.subf %add3A_502, %get3A_505 : vector<16xf32>
    %mul3A_507 = arith.mulf %sub3A_506, %sub3A_506 : vector<16xf32>
    %add3A_508 = arith.addf %add3A_494, %mul3A_507 : vector<16xf32>
    %add3A_509 = arith.addf %add3A_495, %sub3A_506 : vector<16xf32>
    %swap3A = arith.constant 0 : i32
    %swap3A_510 = arith.index_cast %swap3A : i32 to index
    %swap3A_511 = arith.constant 0 : index
    %swap3A_512 = tpu.vector_load %arg13[%swap3A_510, %swap3A_511] {strides = array<i32>} : memref<2x16xf32, #tpu.memory_space<vmem>>, vector<1x16xf32>,
    %swap3A_513 = vector.shape_cast %swap3A_512 : vector<1x16xf32> to vector<16xf32>
    %swap3A_514 = vector.shape_cast %add3A_508 : vector<16xf32> to vector<1x16xf32>
    tpu.vector_store %arg13[%swap3A_510, %swap3A_511], %swap3A_514 {strides = array<i32>} : memref<2x16xf32, #tpu.memory_space<vmem>>, vector<1x16xf32>,
    %swap3A_515 = arith.constant 1 : i32
    %swap3A_516 = arith.index_cast %swap3A_515 : i32 to index
    %swap3A_517 = arith.constant 0 : index
    %swap3A_518 = tpu.vector_load %arg13[%swap3A_516, %swap3A_517] {strides = array<i32>} : memref<2x16xf32, #tpu.memory_space<vmem>>, vector<1x16xf32>,
    %swap3A_519 = vector.shape_cast %swap3A_518 : vector<1x16xf32> to vector<16xf32>
    %swap3A_520 = vector.shape_cast %add3A_509 : vector<16xf32> to vector<1x16xf32>
    tpu.vector_store %arg13[%swap3A_516, %swap3A_517], %swap3A_520 {strides = array<i32>} : memref<2x16xf32, #tpu.memory_space<vmem>>, vector<1x16xf32>,
    "tpu.region"() ({
      %run_scoped3A = tpu.sem_alloc : memref<!tpu.dma_semaphore, #tpu.memory_space<semaphore_mem>>
      %dma_start3A_521 = arith.constant 0 : i32
      %dma_start3A_522 = arith.constant 0 : i32
      %dma_start3A_523 = tpu.memref_slice %arg7[%add3A, %dma_start3A_521, %dma_start3A_522] : memref<32x2x16xf32, #tpu.memory_space<hbm>> -> memref<1x2x16xf32, #tpu.memory_space<hbm>>
      %dma_start3A_524 = tpu.memref_squeeze %dma_start3A_523 : memref<1x2x16xf32, #tpu.memory_space<hbm>> -> memref<2x16xf32, #tpu.memory_space<hbm>>
      %dma_start3A_525 = arith.constant 0 : i32
      %dma_start3A_526 = arith.constant 0 : i32
      %dma_start3A_527 = tpu.memref_slice %arg7[%add3A, %dma_start3A_525, %dma_start3A_526] : memref<32x2x16xf32, #tpu.memory_space<hbm>> -> memref<1x2x16xf32, #tpu.memory_space<hbm>>
      %dma_start3A_528 = tpu.memref_squeeze %dma_start3A_527 : memref<1x2x16xf32, #tpu.memory_space<hbm>> -> memref<2x16xf32, #tpu.memory_space<hbm>>
      tpu.enqueue_dma source(%arg13 : memref<2x16xf32, #tpu.memory_space<vmem>>) target(%dma_start3A_528 : memref<2x16xf32, #tpu.memory_space<hbm>>) target_semaphore(%run_scoped3A : memref<!tpu.dma_semaphore, #tpu.memory_space<semaphore_mem>>)
      %dma_wait3A_529 = arith.constant 0 : i32
      %dma_wait3A_530 = arith.constant 0 : i32
      %dma_wait3A_531 = tpu.memref_slice %arg7[%add3A, %dma_wait3A_529, %dma_wait3A_530] : memref<32x2x16xf32, #tpu.memory_space<hbm>> -> memref<1x2x16xf32, #tpu.memory_space<hbm>>
      %dma_wait3A_532 = tpu.memref_squeeze %dma_wait3A_531 : memref<1x2x16xf32, #tpu.memory_space<hbm>> -> memref<2x16xf32, #tpu.memory_space<hbm>>
      %dma_wait3A_533 = arith.constant 0 : i32
      %dma_wait3A_534 = arith.constant 0 : i32
      %dma_wait3A_535 = tpu.memref_slice %arg7[%add3A, %dma_wait3A_533, %dma_wait3A_534] : memref<32x2x16xf32, #tpu.memory_space<hbm>> -> memref<1x2x16xf32, #tpu.memory_space<hbm>>
      %dma_wait3A_536 = tpu.memref_squeeze %dma_wait3A_535 : memref<1x2x16xf32, #tpu.memory_space<hbm>> -> memref<2x16xf32, #tpu.memory_space<hbm>>
      tpu.wait_dma2 semaphore(%run_scoped3A : memref<!tpu.dma_semaphore, #tpu.memory_space<semaphore_mem>>) src(%arg13 : memref<2x16xf32, #tpu.memory_space<vmem>>) dst(%dma_wait3A_536 : memref<2x16xf32, #tpu.memory_space<hbm>>)
      tpu.yield
    }) : () -> ()
    return
  }
}

</mosaic_0001>

<sc_bundles>
// kernel: _lfm_loss.3.cloned.1.call-start
scs
__scs_entry_jumppad:
0x0: {  	(pc) =	sbr.rel $0x88, $3  }
0x1: {  	(tag) =	ssettag $0x0;
	lr =	simm.s32 $0x1  }
0x2: {  	[smem:$0x3F9B] =	sst lr;
	_ =	strace $0xD0000000  }
0x3: {  	_ = 	snop  }
0x4: {  	_ = 	snop  }
0x5: {  	_ = 	snop  }
0x6: {  	_ = 	snop  }
0x7: {  	_ = 	snop  }
__scs_overlays_trampoline_lowered:
0x8: {  	[smem:$0x3FAA] =	sst s0  }
0x9: {  	[smem:$0x3FAB] =	sst s1  }
0xa: {  	[smem:$0x3FAC] =	sst s2  }
0xb: {  	[smem:$0x3FAD] =	sst s3  }
0xc: {  	[smem:$0x3FAE] =	sst s4  }
0xd: {  	[smem:$0x3FAF] =	sst s5  }
0xe: {  	[smem:$0x3FB0] =	sst s6  }
0xf: {  	[smem:$0x3FB1] =	sst s7  }
0x10: {  	[smem:$0x3FB2] =	sst s8  }
0x11: {  	[smem:$0x3FB3] =	sst s9;
	s0 =	simm.s32 @!p0 $0x0  }
0x12: {  	s1 =	sld [smem:$0x3F99];
	s0 =	simm.s32 @p0 $0x1  }
0x13: {  	[smem:$0x3FB4] =	sst s0;
	s0 =	simm.s32 @!p1 $0x0  }
0x14: {  	s2 =	sld [smem:$0x3F98];
	s0 =	simm.s32 @p1 $0x1  }
0x15: {  	[smem:$0x3FB5] =	sst s0;
	s0 =	simm.s32 @!p2 $0x0  }
0x16: {  	s3 =	sld [smem:$0x3FDB];
	s0 =	simm.s32 @p2 $0x1  }
0x17: {  	s4 =	simm.s32 $0x1BF5;
	[smem:$0x3FB7] =	sst s0  }
0x18: {  	s0 =	sld [smem:$0x3F9A];
	_ =	swait.ge [sflag:s4], $0x0  }
0x19: {  	s7 =	sld [smem:$0x3F9B]  }
0x1a: {  	s8 =	sadd.s32 $0xFFFFE003, lr  }
0x1b: {  	s9 =	sadd.s32 $0xFFFFFEF7, lr;
	s5 =	simm.s32 $0xFFFFFFFF;
	p2 =	slt.u32 s8, $0xFFFFF086  }
0x1c: {  	p1 =	slt.u32 s9, $0xF7A;
	s5 =	simm.s32 @!p2 $0x0  }
0x1d: {  	s5 =	simm.s32 @p1 $0x1;
	p0 =	seq.s32 s7, s2  }
0x1e: {  	s7 =	smul.u32 @!p0 $0xF7A, s2;
	p2 =	seq.s32 @!p0 s5, $0x0  }
0x1f: {  	s9 =	smul.u32 $0xF7A, s1;
	s8 =	simm.s32 @!p0 $0x1BF5;
	p2 =	por !p2, p0  }
0x20: {  	[sflag:s8] =	ssyncset.s32 @!p0 $0xFFFFF086;
	s6 =	sadd.s32 @!p0 s3, s7;
	s7 =	simm.s32 @!p0 $0x108  }
0x21: {  	s3 =	sadd.s32 s3, s9;
	s6 =	sadd.s32 @!p0 $0x88, s6;
	s7 =	simm.s32 @p2 $0x1082  }
0x22: {  	[simem:s7], [sflag:s8] =	dma.local @!p0 [hbm:s6], $0xF7A  }
0x23: {  	s9 =	sor.u32 $0xD0000000, s2;
	s6 =	simm.s32 $0x108;
	_ =	swait.ge @!p0 [sflag:s8], $0x0  }
0x24: {  	s3 =	sadd.s32 $0x88, s3;
	s6 =	simm.s32 @!p1 $0x1082;
	[sflag:s4] =	ssyncset.s32 $0xFFFFF086  }
0x25: {  	[simem:s6], [sflag:s4] =	dma.local [hbm:s3], $0xF7A  }
0x26: {  	[smem:$0x3F9B] =	sst s1;
	(tag) =	ssettag s2;
	_ =	strace s9  }
0x27: {  	s1 =	sld [smem:$0x3FAB]  }
0x28: {  	s2 =	sld [smem:$0x3FAC]  }
0x29: {  	s4 =	sld [smem:$0x3FAE]  }
0x2a: {  	p0 =	seq.s32 s5, $0x0;
	s5 =	sld [smem:$0x3FAF]  }
0x2b: {  	s6 =	sld [smem:$0x3FB0]  }
0x2c: {  	s7 =	sld [smem:$0x3FB1]  }
0x2d: {  	s3 =	simm.s32 $0x108;
	s8 =	sld [smem:$0x3FB2]  }
0x2e: {  	s3 =	simm.s32 @!p0 $0x1082;
	s9 =	sld [smem:$0x3FB3]  }
0x2f: {  	lr =	sadd.s32 s0, s3;
	s0 =	sld [smem:$0x3FAA]  }
0x30: {  	s3 =	sld [smem:$0x3FAD]  }
0x31: {  	[smem:$0x3FB6] =	sst s10  }
0x32: {  	s10 =	sld [smem:$0x3FB4];
	_ =	sdelay $0x3  }
0x33: {  	p0 =	seq.s32 s10, $0x1;
	s10 =	sld [smem:$0x3FB6];
	_ =	sdelay $0x3  }
0x34: {  	[smem:$0x3FB6] =	sst s10  }
0x35: {  	s10 =	sld [smem:$0x3FB5];
	_ =	sdelay $0x3  }
0x36: {  	p1 =	seq.s32 s10, $0x1;
	s10 =	sld [smem:$0x3FB6];
	_ =	sdelay $0x3  }
0x37: {  	[smem:$0x3FB6] =	sst s10  }
0x38: {  	s10 =	sld [smem:$0x3FB7]  }
0x39: {  	_ = 	snop;
	(pc) =	sbr.ind lr, $3  }
0x3a: {  	_ = 	snop  }
0x3b: {  	_ = 	snop  }
0x3c: {  	p2 =	seq.s32 s10, $0x1;
	s10 =	sld [smem:$0x3FB6]  }
0x3d: {  	_ =	shalt  }
0x3e: {  	_ =	shalt  }
0x3f: {  	_ =	shalt  }
0x40: {  	_ =	shalt  }
0x41: {  	_ =	shalt  }
0x42: {  	_ =	shalt  }
0x43: {  	_ =	shalt  }
0x44: {  	_ =	shalt  }
0x45: {  	_ =	shalt  }
0x46: {  	_ =	shalt  }
0x47: {  	_ =	shalt  }
0x48: {  	_ =	shalt  }
0x49: {  	_ =	shalt  }
0x4a: {  	_ =	shalt  }
0x4b: {  	_ =	shalt  }
0x4c: {  	_ =	shalt  }
0x4d: {  	_ =	shalt  }
0x4e: {  	_ =	shalt  }
0x4f: {  	_ =	shalt  }
0x50: {  	_ =	shalt  }
0x51: {  	_ =	shalt  }
0x52: {  	_ =	shalt  }
0x53: {  	_ =	shalt  }
0x54: {  	_ =	shalt  }
0x55: {  	_ =	shalt  }
0x56: {  	_ =	shalt  }
0x57: {  	_ =	shalt  }
0x58: {  	_ =	shalt  }
0x59: {  	_ =	shalt  }
0x5a: {  	_ =	shalt  }
0x5b: {  	_ =	shalt  }
0x5c: {  	_ =	shalt  }
0x5d: {  	_ =	shalt  }
0x5e: {  	_ =	shalt  }
0x5f: {  	_ =	shalt  }
0x60: {  	_ =	shalt  }
0x61: {  	_ =	shalt  }
0x62: {  	_ =	shalt  }
0x63: {  	_ =	shalt  }
0x64: {  	_ =	shalt  }
0x65: {  	_ =	shalt  }
0x66: {  	_ =	shalt  }
0x67: {  	_ =	shalt  }
0x68: {  	_ =	shalt  }
0x69: {  	_ =	shalt  }
0x6a: {  	_ =	shalt  }
0x6b: {  	_ =	shalt  }
0x6c: {  	_ =	shalt  }
0x6d: {  	_ =	shalt  }
0x6e: {  	_ =	shalt  }
0x6f: {  	_ =	shalt  }
0x70: {  	_ =	shalt  }
0x71: {  	_ =	shalt  }
0x72: {  	_ =	shalt  }
0x73: {  	_ =	shalt  }
0x74: {  	_ =	shalt  }
0x75: {  	_ =	shalt  }
0x76: {  	_ =	shalt  }
0x77: {  	_ =	shalt  }
0x78: {  	_ =	shalt  }
0x79: {  	_ =	shalt  }
0x7a: {  	_ =	shalt  }
0x7b: {  	_ =	shalt  }
0x7c: {  	_ =	shalt  }
0x7d: {  	_ =	shalt  }
0x7e: {  	_ =	shalt  }
0x7f: {  	_ =	shalt  }
0x80: {  	_ =	shalt  }
0x81: {  	_ =	shalt  }
0x82: {  	_ =	shalt  }
0x83: {  	_ =	shalt  }
0x84: {  	_ =	shalt  }
0x85: {  	_ =	shalt  }
0x86: {  	_ =	shalt  }
0x87: {  	_ =	shalt  }
.Lfunc_end0:
.L_simem_size_0:
called_computation_lowered:
.L_overlay_start_0:
0x88: {  	s2 =	sld [smem:$0x3FD9]  }
0x89: {  	s3 =	sld [smem:$0x3FFE];
	_ =	sdelay $0x1  }
0x8a: {  	s1 =	srdreg.scid  }
0x8b: {  	s0 =	sand.u32 $0x1, s1  }
0x8c: {  	s17 =	sshll.u32 s0, $0xA;
	s2 =	sadd.s32 s3, s2  }
0x8d: {  	s2 =	sadd.s32 s2, s17  }
0x8e: {  	[smem:$0x3FC2] =	sst s2  }
0x8f: {  	_ = 	snop  }
0x90: {  	s2 =	sld [smem:$0x3FC9]  }
0x91: {  	s18 =	sld [smem:$0x3FC8]  }
0x92: {  	s4 =	sld [smem:$0x3FC7]  }
0x93: {  	s5 =	sld [smem:$0x3FC6]  }
0x94: {  	s6 =	sld [smem:$0x3FC5];
	(tm) =	ssettm $0x1  }
0x95: {  	s7 =	sld [smem:$0x3FFB];
	_ =	sdelay $0x3  }
0x96: {  	_ =	strace s7  }
0x97: {  	s7 =	sld [smem:$0x3FFC];
	_ =	sdelay $0x3  }
0x98: {  	_ =	strace s7  }
0x99: {  	s7 =	sld [smem:$0x3FFD];
	_ =	sdelay $0x3  }
0x9a: {  	_ =	strace s7  }
0x9b: {  	_ =	strace $0x8FFFFFFF  }
0x9c: {  	s19 =	sld [smem:$0x3FDB];
	_ =	sdelay $0x1  }
0x9d: {  	s8 =	simm.s32 $_scs_section_size  }
0x9e: {  	s9 =	simm.s32 $_size__tile_overlayer_lowered;
	s10 =	simm.s32 $_tile_overlayer_lowered  }
0x9f: {  	s22 =	simm.s32 $0x1BFF;
	s21 =	sshll.u32 s10, $0x1;
	s7 =	sadd.s32 s8, s19  }
0xa0: {  	s11 =	simm.s32 $0x0;
	s20 =	sshll.u32 s9, $0x1;
	s9 =	sadd.s32 s21, s7  }
0xa1: {  	[timem:s11], [sflag:s22] =	dma.local [hbm:s9], s20  }
0xa2: {  	_ =	swait.ge [sflag:s22], s20  }
0xa3: {  	s8 =	ssub.s32 $0x0, s20;
	[sflag:s22] =	ssyncset.done $0x0  }
0xa4: {  	[sflag:s22] =	ssyncadd.s32 s8;
	_ =	sdelay $0x1  }
0xa5: {  	s23 =	simm.s32 $0x1B8B  }
0xa6: {  	_ =	swait.ge [sflag:s23], $0x1  }
0xa7: {  	[sflag:s23] =	ssyncset.done $0x0  }
0xa8: {  	s25 =	simm.s32 $0x1B8E;
	s24 =	sld [smem:$0x3FFE];
	[sflag:s23] =	ssyncadd.s32 $0xFFFFFFFF  }
0xa9: {  	s26 =	simm.s32 $execute0_lowered;
	[smem:$0x3FD2] =	sst s25  }
0xaa: {  	s9 =	sshll.u32 s26, $0x1;
	_ =	strace $0x80000046;
	[dreg:$0x1] =	wrdreg $0xFFFFFFFF  }
0xab: {  	s28 =	simm.s32 $_size_execute0_lowered;
	s7 =	sadd.s32 s7, s9;
	[dreg:$0x0] =	wrdreg $0x0  }
0xac: {  	s9 =	sshll.u32 s28, $0x1;
	[dreg:$0x2] =	wrdreg s7  }
0xad: {  	[dreg:$0x3] =	wrdreg s9  }
0xae: {  	[dreg:$0x4] =	wrdreg $0xC0  }
0xaf: {  	_ =	task [dreg:s11], $0x5FFFF  }
0xb0: {  	[dreg:$0x1] =	wrdreg $0xFFFFFFFF  }
0xb1: {  	[dreg:$0x0] =	wrdreg $0x60  }
0xb2: {  	[dreg:$0x2] =	wrdreg s2  }
0xb3: {  	[dreg:$0x3] =	wrdreg s18  }
0xb4: {  	[dreg:$0x4] =	wrdreg s4  }
0xb5: {  	[dreg:$0x5] =	wrdreg s5  }
0xb6: {  	[dreg:$0x6] =	wrdreg s6  }
0xb7: {  	[dreg:$0x7] =	wrdreg s24  }
0xb8: {  	[dreg:$0x8] =	wrdreg $0x9  }
0xb9: {  	_ =	task.clear_ibuf [dreg:s11], $0x9FFFF;
	_ =	strace $0x90000046  }
0xba: {  	s29 =	simm.s32 $0x9;
	_ =	strace $0x80000048  }
0xbb: {  	_ =	swait.ge [sflag:s29], $0x1  }
0xbc: {  	[sflag:s29] =	ssyncadd.s32 $0xFFFFFFFF  }
0xbd: {  	_ =	strace $0x90000048  }
0xbe: {  	_ =	sfence  }
0xbf: {  	s30 =	sld [smem:$0x0];
	_ =	sdelay $0x2  }
0xc0: {  	s31 =	sshll.u32 s1, $0xD;
	s1 =	sshrl.u32 s1, $0x2  }
0xc1: {  	s3 =	sand.u32 $0x4000, s31;
	s1 =	sadd.s32 s1, s30  }
0xc2: {  	s0 =	sor.u32 s3, s0;
	s1 =	sshll.u32 s1, $0x11  }
0xc3: {  	s0 =	sor.u32 s1, s0  }
0xc4: {  	s0 =	sadd.s32 $0x8F2B, s0  }
0xc5: {  	[sflag:s0] =	ssyncadd.remote.s32 $0x1  }
0xc6: {  	_ =	sfence.sel $0xFFFF  }
0xc7: {  	[dreg:$0x0] =	wrdreg $0xFFFFFFFF;
	(pc) =	sbr.abs _section_cstart, $3  }
0xc8: {  	[dreg:$0x1] =	wrdreg $0xFFFFFFFF  }
0xc9: {  	_ =	task.clear_ibuf [dreg:s11], $0x2FFFF;
	_ =	strace $0x9FFFFFFF  }
0xca: {  	(tm) =	ssettm $0x7FFFFFFF  }
0xcb: {  	_ =	shalt  }
tec
execute0_lowered:
.L_overlay_start_1:
0x0: {  	(tag) =	ssettag $0x1  }
0x1: {  	s5 =	rddreg [dreg:$0x0]  }
0x2: {  	s6 =	rddreg [dreg:$0x1]  }
0x3: {  	s7 =	rddreg [dreg:$0x2]  }
0x4: {  	s1 =	rddreg [dreg:$0x3]  }
0x5: {  	s3 =	rddreg [dreg:$0x4]  }
0x6: {  	s8 =	rddreg [dreg:$0x5];
	s4 =	srdreg.scid  }
0x7: {  	s0 =	rddreg [dreg:$0x6];
	s2 =	stileid.u32;
	s13 =	simm.s32 $0x100  }
0x8: {  	s14 =	simm.s32 $0x600;
	s15 =	simm.s32 $0x800;
	s16 =	simm.s32 $0x700  }
0x9: {  	s17 =	simm.s32 $0x300;
	s18 =	simm.s32 $0x900;
	s19 =	simm.s32 $0x2  }
0xa: {  	s20 =	simm.s32 $0xA00;
	s21 =	simm.s32 $0x3;
	s9 =	sand.u32 $0x1, s4  }
0xb: {  	s4 =	simm.s32 $0x0;
	s11 =	sshll.u32 s2, $0x1;
	s10 =	ssub.s32 $0x2, s9  }
0xc: {  	[smem:$0x7FF] =	sst s4;
	s9 =	sor.u32 s9, s11;
	s12 =	sshrl.u32 s10, $0x1  }
0xd: {  	_ =	strace $0x80000047;
	s11 =	sshll.u32 s9, $0x6;
	s9 =	sshll.u32 s9, $0x5  }
0xe: {  	s10 =	ssub.s32 s10, s12;
	s5 =	sadd.s32 s5, s11;
	s6 =	sadd.s32 s6, s11  }
0xf: {  	s7 =	sadd.s32 s7, s11;
	s8 =	sadd.s32 s8, s9;
	s11 =	simm.s32 $0x400  }
0x10: {  	s12 =	simm.s32 $0x1;
	s9 =	smax.u32 s10, $0x1;
	s10 =	simm.s32 $0x200  }
.LBB2_1:
0x11: {  	[tilespmem:s4], [sflag:$0x1] =	stream.linear.gather [hbm4b:s5+s4], $0x200, $0x38;
	[tilespmem:$0xB00] =	vst v63  }
0x12: {  	_ = 	snop  }
0x13: {  	[tilespmem:s10], [sflag:$0x1] =	stream.linear.gather [hbm4b:s6+s4], $0x200, $0x38;
	[tilespmem:$0xB00] =	vst v63  }
0x14: {  	_ = 	snop  }
0x15: {  	[tilespmem:s11], [sflag:$0x1] =	stream.linear.gather [hbm4b:s7+s4], $0x200, $0x38;
	[tilespmem:$0xB00] =	vst v63  }
0x16: {  	_ =	swait.ge [sflag:s12], $0x200  }
0x17: {  	[sflag:s12] =	ssyncset.done $0x0  }
0x18: {  	[sflag:s12] =	ssyncadd.s32 $0xFFFFFE00  }
0x19: {  	_ =	swait.ge [sflag:s12], $0x200  }
0x1a: {  	[sflag:s12] =	ssyncset.done $0x0  }
0x1b: {  	[sflag:s12] =	ssyncadd.s32 $0xFFFFFE00  }
0x1c: {  	[tilespmem:s14], [sflag:$0x2] =	stream.indirect.gather [hbm4b:s1+s13], $0x1, s4, s13, $0xb8;
	[tilespmem:$0xB00] =	vst v63  }
0x1d: {  	_ = 	snop  }
0x1e: {  	[tilespmem:s15], [sflag:$0x2] =	stream.indirect.gather [hbm4b:s3+s13], $0x1, s10, s13, $0xb8;
	[tilespmem:$0xB00] =	vst v63  }
0x1f: {  	_ = 	snop  }
0x20: {  	[tilespmem:s16], [sflag:$0x2] =	stream.indirect.gather [hbm4b:s1+s13], $0x1, s13, s13, $0xb8;
	[tilespmem:$0xB00] =	vst v63  }
0x21: {  	_ = 	snop  }
0x22: {  	[tilespmem:s18], [sflag:$0x2] =	stream.indirect.gather [hbm4b:s3+s13], $0x1, s17, s13, $0xb8;
	[tilespmem:$0xB00] =	vst v63  }
0x23: {  	_ =	swait.ge [sflag:s12], $0x200  }
0x24: {  	[sflag:s12] =	ssyncset.done $0x0  }
0x25: {  	[sflag:s12] =	ssyncadd.s32 $0xFFFFFE00  }
0x26: {  	_ =	swait.ge [sflag:s19], $0x100  }
0x27: {  	[sflag:s19] =	ssyncset.done $0x0  }
0x28: {  	[sflag:s19] =	ssyncadd.s32 $0xFFFFFF00  }
0x29: {  	_ =	swait.ge [sflag:s19], $0x100  }
0x2a: {  	[sflag:s19] =	ssyncset.done $0x0  }
0x2b: {  	[sflag:s19] =	ssyncadd.s32 $0xFFFFFF00  }
0x2c: {  	v0 =	vld [tilespmem:$0x600]  }
0x2d: {  	v1 =	vld [tilespmem:$0x800]  }
0x2e: {  	v2 =	vld [tilespmem:$0x400]  }
0x2f: {  	v3 =	vld [tilespmem:$0x610]  }
0x30: {  	v4 =	vld [tilespmem:$0x810]  }
0x31: {  	v5 =	vld [tilespmem:$0x410]  }
0x32: {  	v6 =	vld [tilespmem:$0x620]  }
0x33: {  	v7 =	vld [tilespmem:$0x820]  }
0x34: {  	v8 =	vld [tilespmem:$0x420]  }
0x35: {  	v9 =	vld [tilespmem:$0x630]  }
0x36: {  	v10 =	vld [tilespmem:$0x830]  }
0x37: {  	v11 =	vld [tilespmem:$0x430]  }
0x38: {  	v12 =	vld [tilespmem:$0x640]  }
0x39: {  	v13 =	vld [tilespmem:$0x840]  }
0x3a: {  	v14 =	vld [tilespmem:$0x440]  }
0x3b: {  	v15 =	vld [tilespmem:$0x650]  }
0x3c: {  	v16 =	vld [tilespmem:$0x850]  }
0x3d: {  	v17 =	vld [tilespmem:$0x450]  }
0x3e: {  	v18 =	vld [tilespmem:$0x660]  }
0x3f: {  	v19 =	vld [tilespmem:$0x860]  }
0x40: {  	v20 =	vld [tilespmem:$0x460]  }
0x41: {  	v21 =	vld [tilespmem:$0x670]  }
0x42: {  	v22 =	vld [tilespmem:$0x870]  }
0x43: {  	v23 =	vld [tilespmem:$0x470]  }
0x44: {  	v24 =	vld [tilespmem:$0x680]  }
0x45: {  	v25 =	vld [tilespmem:$0x880]  }
0x46: {  	v26 =	vld [tilespmem:$0x480]  }
0x47: {  	v27 =	vld [tilespmem:$0x690]  }
0x48: {  	v28 =	vld [tilespmem:$0x890]  }
0x49: {  	v29 =	vld [tilespmem:$0x490]  }
0x4a: {  	v30 =	vld [tilespmem:$0x6A0]  }
0x4b: {  	v31 =	vld [tilespmem:$0x8A0]  }
0x4c: {  	v32 =	vld [tilespmem:$0x4A0]  }
0x4d: {  	v33 =	vld [tilespmem:$0x6B0]  }
0x4e: {  	v34 =	vld [tilespmem:$0x8B0]  }
0x4f: {  	v36 =	vld [tilespmem:$0x6D0]  }
0x50: {  	v42 =	vld [tilespmem:$0x8D0]  }
0x51: {  	v43 =	vld [tilespmem:$0x4D0]  }
0x52: {  	v45 =	vld [tilespmem:$0x6E0]  }
0x53: {  	v46 =	vld [tilespmem:$0x8E0]  }
0x54: {  	v50 =	vld [tilespmem:$0x8F0]  }
0x55: {  	v52 =	vld [tilespmem:$0x4F0]  }
0x56: {  	v62 =	vadd.f32 v4, v3;
	v3 =	vld [tilespmem:$0x4B0]  }
0x57: {  	v0 =	vadd.f32 v1, v0;
	v4 =	vld [tilespmem:$0x6C0];
	v63 =	vadd.f32 v7, v6  }
0x58: {  	v6 =	vld [tilespmem:$0x4C0];
	v41 =	vadd.f32 v10, v9;
	v12 =	vadd.f32 v13, v12  }
0x59: {  	v15 =	vadd.f32 v16, v15;
	v16 =	vld [tilespmem:$0x6F0];
	v51 =	vadd.f32 v19, v18  }
0x5a: {  	v0 =	vsub.f32 v0, v2;
	v1 =	vsub.f32 v62, v5;
	v2 =	vld [tilespmem:$0x8C0]  }
0x5b: {  	v54 =	vadd.f32 v22, v21;
	v12 =	vsub.f32 v12, v14;
	v14 =	vld [tilespmem:$0x4E0];
	_ =	swait.ge [sflag:s19], $0x100  }
0x5c: {  	v5 =	vsub.f32 v63, v8;
	[sflag:s19] =	ssyncset.done $0x0;
	v40 =	vmul.f32 v0, v0;
	v35 =	vmul.f32 v1, v1  }
0x5d: {  	v57 =	vadd.f32 v25, v24;
	v0 =	vadd.f32 $0.0e+00, v0;
	[sflag:s19] =	ssyncadd.s32 $0xFFFFFF00  }
0x5e: {  	v8 =	vsub.f32 v41, v11;
	v44 =	vmul.f32 v5, v5;
	_ =	swait.ge [sflag:s19], $0x100;
	v7 =	vadd.f32 v35, v40  }
0x5f: {  	v60 =	vadd.f32 v28, v27;
	v0 =	vadd.f32 v1, v0;
	[sflag:s19] =	ssyncset.done $0x0  }
0x60: {  	v27 =	vadd.f32 v31, v30;
	v47 =	vmul.f32 v8, v8;
	[sflag:s19] =	ssyncadd.s32 $0xFFFFFF00;
	v7 =	vadd.f32 v44, v7  }
0x61: {  	v15 =	vsub.f32 v15, v17;
	v0 =	vadd.f32 v5, v0;
	v61 =	vld [tilespmem:$0x700]  }
0x62: {  	v53 =	vsub.f32 v51, v20;
	v49 =	vmul.f32 v12, v12;
	v62 =	vld [tilespmem:$0x900];
	v48 =	vadd.f32 v47, v7  }
0x63: {  	v63 =	vsub.f32 v60, v29;
	v28 =	vld [tilespmem:$0x500];
	v0 =	vadd.f32 v8, v0  }
0x64: {  	v20 =	vsub.f32 v27, v32;
	v55 =	vmul.f32 v15, v15;
	v29 =	vld [tilespmem:$0x710];
	v5 =	vadd.f32 v49, v48  }
0x65: {  	v32 =	vadd.f32 v34, v33;
	v31 =	vld [tilespmem:$0x910];
	v0 =	vadd.f32 v12, v0  }
0x66: {  	v56 =	vmul.f32 v53, v53;
	v33 =	vld [tilespmem:$0x510];
	v8 =	vsub.f32 v54, v23;
	v5 =	vadd.f32 v55, v5  }
0x67: {  	v35 =	vld [tilespmem:$0x720];
	v0 =	vadd.f32 v15, v0  }
0x68: {  	v59 =	vsub.f32 v57, v26;
	v37 =	vld [tilespmem:$0x920];
	v58 =	vmul.f32 v8, v8;
	v5 =	vadd.f32 v56, v5  }
0x69: {  	v9 =	vadd.f32 v42, v36;
	v38 =	vld [tilespmem:$0x520];
	v0 =	vadd.f32 v53, v0  }
0x6a: {  	v26 =	vmul.f32 v59, v59;
	v40 =	vld [tilespmem:$0x730];
	v5 =	vadd.f32 v58, v5  }
0x6b: {  	v9 =	vsub.f32 v9, v43;
	v41 =	vld [tilespmem:$0x930];
	v0 =	vadd.f32 v8, v0  }
0x6c: {  	v30 =	vmul.f32 v63, v63;
	v3 =	vsub.f32 v32, v3;
	v43 =	vld [tilespmem:$0x530];
	v5 =	vadd.f32 v26, v5  }
0x6d: {  	v11 =	vadd.f32 v50, v16;
	v44 =	vld [tilespmem:$0x740];
	v0 =	vadd.f32 v59, v0  }
0x6e: {  	v34 =	vmul.f32 v20, v20;
	v2 =	vadd.f32 v2, v4;
	v50 =	vld [tilespmem:$0x750];
	v5 =	vadd.f32 v30, v5  }
0x6f: {  	v57 =	vld [tilespmem:$0x960];
	v0 =	vadd.f32 v63, v0  }
0x70: {  	v39 =	vmul.f32 v3, v3;
	v60 =	vld [tilespmem:$0x560];
	v2 =	vsub.f32 v2, v6;
	v5 =	vadd.f32 v34, v5  }
0x71: {  	v21 =	vld [tilespmem:$0x570];
	v0 =	vadd.f32 v20, v0  }
0x72: {  	v1 =	vadd.f32 v46, v45;
	v22 =	vld [tilespmem:$0x780];
	v42 =	vmul.f32 v2, v2;
	v5 =	vadd.f32 v39, v5  }
0x73: {  	v24 =	vld [tilespmem:$0x980];
	v0 =	vadd.f32 v3, v0  }
0x74: {  	v46 =	vmul.f32 v9, v9;
	v1 =	vsub.f32 v1, v14;
	v25 =	vld [tilespmem:$0x580];
	v45 =	vadd.f32 v42, v5  }
0x75: {  	v27 =	vld [tilespmem:$0x790];
	v7 =	vadd.f32 v62, v61;
	v0 =	vadd.f32 v2, v0  }
0x76: {  	v51 =	vsub.f32 v11, v52;
	v32 =	vld [tilespmem:$0x7A0];
	v52 =	vmul.f32 v1, v1;
	v49 =	vadd.f32 v46, v45  }
0x77: {  	v36 =	vld [tilespmem:$0x7B0];
	v7 =	vsub.f32 v7, v28;
	v0 =	vadd.f32 v9, v0  }
0x78: {  	v47 =	vld [tilespmem:$0x940];
	v55 =	vmul.f32 v51, v51;
	v8 =	vadd.f32 v31, v29;
	v2 =	vadd.f32 v52, v49  }
0x79: {  	v54 =	vld [tilespmem:$0x550];
	v4 =	vadd.f32 v37, v35;
	v0 =	vadd.f32 v1, v0  }
0x7a: {  	v48 =	vld [tilespmem:$0x540];
	v59 =	vmul.f32 v7, v7;
	v8 =	vsub.f32 v8, v33;
	v58 =	vadd.f32 v55, v2  }
0x7b: {  	v4 =	vsub.f32 v4, v38;
	v53 =	vld [tilespmem:$0x950];
	v0 =	vadd.f32 v51, v0  }
0x7c: {  	v56 =	vld [tilespmem:$0x760];
	v63 =	vmul.f32 v8, v8;
	v20 =	vadd.f32 v41, v40;
	v1 =	vadd.f32 v59, v58  }
0x7d: {  	v61 =	vld [tilespmem:$0x770];
	v6 =	vadd.f32 v47, v44;
	v0 =	vadd.f32 v7, v0  }
0x7e: {  	v62 =	vld [tilespmem:$0x970];
	v23 =	vmul.f32 v4, v4;
	v10 =	vsub.f32 v20, v43;
	v1 =	vadd.f32 v63, v1  }
0x7f: {  	v35 =	vld [tilespmem:$0x5A0];
	v6 =	vsub.f32 v6, v48;
	v0 =	vadd.f32 v8, v0  }
0x80: {  	v28 =	vld [tilespmem:$0x990];
	v3 =	vadd.f32 v53, v50;
	v26 =	vmul.f32 v10, v10;
	v1 =	vadd.f32 v23, v1  }
0x81: {  	v38 =	vld [tilespmem:$0x9B0];
	v31 =	vadd.f32 v57, v56;
	v0 =	vadd.f32 v4, v0  }
0x82: {  	v44 =	vld [tilespmem:$0x5C0];
	v30 =	vmul.f32 v6, v6;
	v3 =	vsub.f32 v3, v54;
	v1 =	vadd.f32 v26, v1  }
0x83: {  	v47 =	vld [tilespmem:$0x9D0];
	v2 =	vadd.f32 v62, v61;
	v0 =	vadd.f32 v10, v0  }
0x84: {  	v29 =	vld [tilespmem:$0x590];
	v34 =	vmul.f32 v3, v3;
	v9 =	vsub.f32 v31, v60;
	v1 =	vadd.f32 v30, v1  }
0x85: {  	v33 =	vld [tilespmem:$0x9A0];
	v2 =	vsub.f32 v2, v21;
	v0 =	vadd.f32 v6, v0  }
0x86: {  	v57 =	vld [tilespmem:$0x9F0];
	v37 =	vmul.f32 v9, v9;
	v7 =	vadd.f32 v24, v22;
	v1 =	vadd.f32 v34, v1  }
0x87: {  	v40 =	vld [tilespmem:$0x7C0];
	v8 =	vadd.f32 v28, v27;
	v0 =	vadd.f32 v3, v0  }
0x88: {  	v39 =	vld [tilespmem:$0x5B0];
	v41 =	vsub.f32 v7, v25;
	v42 =	vmul.f32 v2, v2;
	v1 =	vadd.f32 v37, v1  }
0x89: {  	v43 =	vld [tilespmem:$0x9C0];
	v4 =	vsub.f32 v8, v29;
	v0 =	vadd.f32 v9, v0  }
0x8a: {  	v46 =	vld [tilespmem:$0x7D0];
	v45 =	vmul.f32 v41, v41;
	v10 =	vadd.f32 v33, v32;
	v1 =	vadd.f32 v42, v1  }
0x8b: {  	v50 =	vld [tilespmem:$0x7E0];
	v6 =	vadd.f32 v38, v36;
	v0 =	vadd.f32 v2, v0  }
0x8c: {  	v51 =	vld [tilespmem:$0x9E0];
	v48 =	vmul.f32 v4, v4;
	v10 =	vsub.f32 v10, v35;
	v1 =	vadd.f32 v45, v1  }
0x8d: {  	v49 =	vld [tilespmem:$0x5D0];
	v52 =	vsub.f32 v6, v39;
	v0 =	vadd.f32 v41, v0  }
0x8e: {  	v54 =	vld [tilespmem:$0x5E0];
	v53 =	vmul.f32 v10, v10;
	v3 =	vadd.f32 v43, v40;
	v1 =	vadd.f32 v48, v1  }
0x8f: {  	v55 =	vld [tilespmem:$0x7F0];
	v8 =	vadd.f32 v47, v46;
	v0 =	vadd.f32 v4, v0  }
0x90: {  	v56 =	vmul.f32 v52, v52;
	v3 =	vsub.f32 v3, v44;
	v1 =	vadd.f32 v53, v1  }
0x91: {  	v59 =	vld [tilespmem:$0x5F0];
	v2 =	vadd.f32 v51, v50;
	v0 =	vadd.f32 v10, v0  }
0x92: {  	v7 =	vsub.f32 v8, v49;
	v58 =	vmul.f32 v3, v3;
	v1 =	vadd.f32 v56, v1  }
0x93: {  	v2 =	vsub.f32 v2, v54;
	v0 =	vadd.f32 v52, v0  }
0x94: {  	v60 =	vmul.f32 v7, v7;
	v4 =	vadd.f32 v57, v55;
	v1 =	vadd.f32 v58, v1  }
0x95: {  	v0 =	vadd.f32 v3, v0  }
0x96: {  	v62 =	vmul.f32 v2, v2;
	v61 =	vsub.f32 v4, v59;
	v1 =	vadd.f32 v60, v1  }
0x97: {  	v0 =	vadd.f32 v7, v0  }
0x98: {  	v63 =	vmul.f32 v61, v61;
	v1 =	vadd.f32 v62, v1  }
0x99: {  	v0 =	vadd.f32 v2, v0  }
0x9a: {  	v1 =	vadd.f32 v63, v1  }
0x9b: {  	v0 =	vadd.f32 v61, v0  }
0x9c: {  	p0 =	sne.s32 s9, $0x1;
	[tilespmem:$0xA00] =	vst v1  }
.Ltmp0:
0x9d: {  	[tilespmem:$0xA80] =	vst v0;
	(pc) =	sbr.rel @p0 .LBB2_1-.Ltmp0, $4  }
0x9e: {  	[hbm4b:s8+s4] =	stream.linear.scatter [tilespmem:s20], [sflag:$0x3], $0x100, $0x38;
	[tilespmem:$0xB00] =	vst v63  }
0x9f: {  	_ =	swait.ge [sflag:s21], $0x100  }
0xa0: {  	[sflag:s21] =	ssyncset.done $0x0  }
0xa1: {  	s9 =	sadd.s32 $0xFFFFFFFF, s9;
	[sflag:s21] =	ssyncadd.s32 $0xFFFFFF00  }
0xa2: {  	_ =	sfence.sel $0x180000  }
0xa3: {  	[bflag:$0x0] =	sbarrier.arrive $0xFFFF  }
0xa4: {  	p0 =	sne.s32 s2, $0x0;
	_ =	strace $0x90000047  }
0xa5: {  	s0 =	sadd.s32 @!p0 $0x100000, s0;
	[bflag:$0x2] =	sbarrier.arrive $0xFFFF  }
0xa6: {  	[sflag:s0] =	ssyncadd.tile.s32 @!p0 $0x1;
	_ =	shalt  }
.Lfunc_end2:
_tile_overlayer_lowered:
.L_overlay_start_2:
0xa7: {  	(tag) =	ssettag $0x2  }
0xa8: {  	s0 =	rddreg [dreg:$0x0];
	s2 =	stileid.u32  }
0xa9: {  	s1 =	rddreg [dreg:$0x1];
	p0 =	sne.s32 s2, $0x0  }
0xaa: {  	s3 =	rddreg [dreg:$0x2];
	[bflag:$0x3] =	sbarrier.arrive $0xFFFF;
	s2 =	simm.s32 @!p0 $0x1C03  }
0xab: {  	[timem:s3], [sflag:s2] =	dma.local @!p0 [hbm:s0], s1  }
0xac: {  	s0 =	simm.s32 @!p0 $0x3  }
0xad: {  	_ =	swait.ge @!p0 [sflag:s0], s1  }
0xae: {  	s1 =	ssub.s32 @!p0 $0x0, s1;
	[sflag:s0] =	ssyncset.done @!p0 $0x0  }
0xaf: {  	[sflag:s0] =	ssyncadd.s32 @!p0 s1  }
0xb0: {  	[bflag:$0x3] =	sbarrier.arrive $0xFFFF  }
0xb1: {  	_ =	shalt  }

</sc_bundles>
